<compile_context>
chip_gen: v7x
topology: tpu7x:2x2x1
jax: 0.10.2.dev20260603
libtpu: 0.0.44.dev20260713+nightly
codegen_flags: <defaults>
</compile_context>

<pallas_src>
import functools

import jax
import jax.numpy as jnp
from jax import lax
from jax.experimental import pallas as pl
from jax.experimental.pallas import tpu as pltpu
from jax.experimental.pallas import tpu_sc as plsc

VOCAB_SIZE = 1000000
H = 64
B = 1024
L = 200
TOK = B * L
G = 128
SCALE = float(H) ** 0.5

_info = plsc.get_sparse_core_info()
NC = _info.num_cores
NS = _info.num_subcores
NW = NC * NS
ROWS_PER_W = B // NW
TOK_PER_W = ROWS_PER_W * L
GROUPS_PER_W = TOK_PER_W // G
NBUF = 5
ROUNDS = GROUPS_PER_W // NBUF


def _body(table_hbm, idx_hbm, out_hbm, idx_v, rows_v, gsem, osem, isem):
    wid = lax.axis_index("s") * NC + lax.axis_index("c")
    tok0 = wid * TOK_PER_W

    def idx_dma(i):
        return pltpu.make_async_copy(
            idx_hbm.at[pl.ds(tok0 + i * G, G)],
            idx_v.at[pl.ds(i * G, G)],
            isem,
        )

    def start_idx(i, c):
        idx_dma(i).start()
        return c

    def wait_idx(i, c):
        idx_dma(i).wait()
        return c

    lax.fori_loop(0, GRP_PER_W, start_idx, 0)
    lax.fori_loop(0, GRP_PER_W, wait_idx, 0)

    def gather_of(g, b):
        return pltpu.make_async_copy(
            table_hbm.at[idx_v.at[pl.ds(g * G, G)]], rows_v.at[b], gsem.at[b]
        )

    def write_of(g, b):
        return pltpu.make_async_copy(
            rows_v.at[b], out_hbm.at[pl.ds(tok0 + g * G, G)], osem.at[b]
        )

    for b in range(NBUF):
        gather_of(b, b).start()

    def round_(o, carry):
        for b in range(NBUF):
            g = o * NBUF + b
            gather_of(g, b).wait()
            write_of(g, b).start()
        for b in range(NBUF):
            g = o * NBUF + b
            write_of(g, b).wait()

            @pl.when(o < ROUNDS - 1)
            def _():
                gather_of(g + NBUF, b).start()

        return carry

    lax.fori_loop(0, ROUNDS, round_, 0)


N_LTILE = L // 8
N_BTILE = B // G
N_GROUPS = L * N_BTILE
GRP_PER_W = N_GROUPS // NW


def _detile_body(xt_hbm, out_hbm, sem):
    wid = lax.axis_index("s") * NC + lax.axis_index("c")

    def go(i, c):
        g = wid * GRP_PER_W + i
        l = g // N_BTILE
        bt = g % N_BTILE
        pltpu.make_async_copy(
            xt_hbm.at[l, pl.ds(bt * G, G)],
            out_hbm.at[pl.ds(l * B + bt * G, G)],
            sem,
        ).start()
        return c

    def drain(i, c):
        g = wid * GRP_PER_W + i
        l = g // N_BTILE
        bt = g % N_BTILE
        pltpu.make_async_copy(
            xt_hbm.at[l, pl.ds(bt * G, G)],
            out_hbm.at[pl.ds(l * B + bt * G, G)],
            sem,
        ).wait()
        return c

    lax.fori_loop(0, GRP_PER_W, go, 0)
    lax.fori_loop(0, GRP_PER_W, drain, 0)


def _detile(x_t):
    run = functools.partial(
        pl.kernel,
        mesh=plsc.VectorSubcoreMesh(core_axis_name="c", subcore_axis_name="s"),
        out_type=jax.ShapeDtypeStruct((TOK,), jnp.int32),
        scratch_types=[pltpu.SemaphoreType.DMA],
        compiler_params=pltpu.CompilerParams(use_tc_tiling_on_sc=True),
    )(_detile_body)
    return run(x_t)


def _gather(table, x_t):
    run = functools.partial(
        pl.kernel,
        mesh=plsc.VectorSubcoreMesh(core_axis_name="c", subcore_axis_name="s"),
        out_type=jax.ShapeDtypeStruct((TOK, H), jnp.float32),
        scratch_types=[
            pltpu.VMEM((TOK_PER_W,), jnp.int32),
            pltpu.VMEM((NBUF, G, H), jnp.float32),
            pltpu.SemaphoreType.DMA((NBUF,)),
            pltpu.SemaphoreType.DMA((NBUF,)),
            pltpu.SemaphoreType.DMA,
        ],
        compiler_params=pltpu.CompilerParams(use_tc_tiling_on_sc=False),
    )(_body)
    return run(table, x_t)


@jax.jit
def kernel(x, shared_weights):
    x_t = x.T
    x_flat = _detile(x_t)
    raw = _gather(shared_weights, x_flat)
    raw = raw.reshape(L, B, H)
    scale = jnp.where(x_t == 0, jnp.float32(0.0), jnp.float32(SCALE))
    out_t = raw * scale[..., None]
    return out_t.transpose(1, 0, 2)

# --- scband reference (transcript-rebuilt; emitter-appended) ---
"""Pipeline reference for scband-embedding-shared-weights-88313117540869 (READ-ONLY COPY).

The authoritative reference and input builder live on the scoring server;
editing this copy changes nothing except your own understanding.
"""

import jax, jax.numpy as jnp
import numpy as np

VOCAB_SIZE = 1000000
HIDDEN_SIZE = 64

def setup_inputs(seed: int = 0) -> dict:
    key = jax.random.key(seed)
    k1, k2 = jax.random.split(key)
    x = jax.random.randint(k1, (1024, 200), 0, VOCAB_SIZE, dtype=jnp.int64 if jax.config.jax_enable_x64 else jnp.int32).astype(jnp.int32)
    shared_weights = jax.random.normal(k2, (VOCAB_SIZE, HIDDEN_SIZE), dtype=jnp.float32) * (float(HIDDEN_SIZE) ** -0.5)
    return {"x": x, "shared_weights": shared_weights}

def reference(x, shared_weights):
    # gather embeddings: equivalent to torch.index_select per batch row
    embeddings = jnp.take(shared_weights, x, axis=0)  # [B, L, H]
    embeddings = embeddings * (float(HIDDEN_SIZE) ** 0.5)
    # model_utils.get_padding: 1.0 where token is PAD (id 0), else 0.0
    padding = (x == 0).astype(jnp.float32)
    embeddings = embeddings * (1.0 - padding)[..., None]
    return embeddings

if __name__ == "__main__":
    import jax
    _d = setup_inputs()
    print(jax.jit(kernel)(*tuple(_d.values())))

</pallas_src>

<mosaic_0001>
#map = affine_map<(d0, d1) -> (0, 0)>
#map1 = affine_map<(d0, d1) -> (0)>
module attributes {stable_mosaic.version = 14 : i64} {
  func.func @_detile_body(%arg0: i32, %arg1: i32, %arg2: memref<200x1024xi32, #tpu.memory_space<hbm>>, %arg3: memref<204800xi32, #tpu.memory_space<hbm>>, %arg4: memref<!tpu.dma_semaphore, #tpu.memory_space<semaphore_mem>>) attributes {dimension_semantics = [#tpu.dimension_semantics<core_parallel>, #tpu.dimension_semantics<subcore_parallel>], iteration_bounds = array<i64: 2, 16>, scalar_prefetch = 0 : i64, scratch_operands = 1 : i64, tpu.core_type = #tpu.core_type<sc_vector_subcore>, window_params = [{transform_indices = #map}, {transform_indices = #map1}]} {
    %mul3A = arith.constant 2 : i32
    %mul3A_0 = arith.muli %arg1, %mul3A : i32
    %add3A = arith.addi %mul3A_0, %arg0 : i32
    %scan3A = arith.constant 0 : i32
    %scan3A_1 = arith.constant 0 : i32
    %scan3A_2 = arith.constant 50 : i32
    %scan3A_3 = arith.addi %scan3A_1, %scan3A_2 : i32
    %scan3A_4 = arith.constant 1 : i32
    scf.for %scan3A_12 = %scan3A_1 to %scan3A_3 step %scan3A_4  : i32 {
      %mul3A_13 = arith.constant 50 : i32
      %mul3A_14 = arith.muli %add3A, %mul3A_13 : i32
      %add3A_15 = arith.addi %mul3A_14, %scan3A_12 : i32
      %jit3A = arith.constant 8 : i32
      %div3A = arith.divsi %add3A_15, %jit3A : i32
      %sign3A = arith.constant 0 : i32
      %sign3A_16 = arith.cmpi sgt, %add3A_15, %sign3A : i32
      %sign3A_17 = arith.extui %sign3A_16 : i1 to i32
      %sign3A_18 = arith.constant 0 : i32
      %sign3A_19 = arith.cmpi slt, %add3A_15, %sign3A_18 : i32
      %sign3A_20 = arith.extui %sign3A_19 : i1 to i32
      %sign3A_21 = arith.subi %sign3A_17, %sign3A_20 : i32
      %sign3A_22 = arith.constant 0 : i32
      %sign3A_23 = arith.cmpi sgt, %jit3A, %sign3A_22 : i32
      %sign3A_24 = arith.extui %sign3A_23 : i1 to i32
      %sign3A_25 = arith.constant 0 : i32
      %sign3A_26 = arith.cmpi slt, %jit3A, %sign3A_25 : i32
      %sign3A_27 = arith.extui %sign3A_26 : i1 to i32
      %sign3A_28 = arith.subi %sign3A_24, %sign3A_27 : i32
      %ne3A = arith.cmpi ne, %sign3A_21, %sign3A_28 : i32
      %rem3A = arith.remsi %add3A_15, %jit3A : i32
      %ne3A_29 = arith.constant 0 : i32
      %ne3A_30 = arith.cmpi ne, %rem3A, %ne3A_29 : i32
      %and3A = arith.andi %ne3A, %ne3A_30 : i1
      %sub3A = arith.constant 1 : i32
      %sub3A_31 = arith.subi %div3A, %sub3A : i32
      %select_n3A = arith.select %and3A, %sub3A_31, %div3A : i32
      %jit3A_32 = arith.constant 8 : i32
      %eq3A = arith.constant 0 : i32
      %eq3A_33 = arith.cmpi eq, %jit3A_32, %eq3A : i32
      %jit3A_34 = arith.constant 1 : i32
      %select_n3A_35 = arith.select %eq3A_33, %jit3A_34, %jit3A_32 : i32
      %rem3A_36 = arith.remsi %add3A_15, %select_n3A_35 : i32
      %ne3A_37 = arith.constant 0 : i32
      %ne3A_38 = arith.cmpi ne, %rem3A_36, %ne3A_37 : i32
      %lt3A = arith.constant 0 : i32
      %lt3A_39 = arith.cmpi slt, %rem3A_36, %lt3A : i32
      %lt3A_40 = arith.constant 0 : i32
      %lt3A_41 = arith.cmpi slt, %select_n3A_35, %lt3A_40 : i32
      %ne3A_42 = arith.xori %lt3A_39, %lt3A_41 : i1
      %and3A_43 = arith.andi %ne3A_42, %ne3A_38 : i1
      %add3A_44 = arith.addi %rem3A_36, %select_n3A_35 : i32
      %select_n3A_45 = arith.select %and3A_43, %add3A_44, %rem3A_36 : i32
      %mul3A_46 = arith.constant 128 : i32
      %mul3A_47 = arith.muli %select_n3A_45, %mul3A_46 : i32
      %mul3A_48 = arith.constant 1024 : i32
      %mul3A_49 = arith.muli %select_n3A, %mul3A_48 : i32
      %mul3A_50 = arith.constant 128 : i32
      %mul3A_51 = arith.muli %select_n3A_45, %mul3A_50 : i32
      %add3A_52 = arith.addi %mul3A_49, %mul3A_51 : i32
      %dma_start3A = tpu.memref_slice %arg3[%add3A_52] : memref<204800xi32, #tpu.memory_space<hbm>> -> memref<128xi32, #tpu.memory_space<hbm>>
      %dma_start3A_53 = tpu.memref_slice %arg2[%select_n3A, %mul3A_47] : memref<200x1024xi32, #tpu.memory_space<hbm>> -> memref<1x128xi32, #tpu.memory_space<hbm>>
      %dma_start3A_54 = tpu.memref_squeeze %dma_start3A_53 : memref<1x128xi32, #tpu.memory_space<hbm>> -> memref<128xi32, #tpu.memory_space<hbm>>
      tpu.enqueue_dma source(%dma_start3A_54 : memref<128xi32, #tpu.memory_space<hbm>>) target(%dma_start3A : memref<128xi32, #tpu.memory_space<hbm>>) target_semaphore(%arg4 : memref<!tpu.dma_semaphore, #tpu.memory_space<semaphore_mem>>)
    }
    %scan3A_5 = arith.constant 50 : i32
    %scan3A_6 = arith.constant 0 : i32
    %scan3A_7 = arith.constant 0 : i32
    %scan3A_8 = arith.constant 50 : i32
    %scan3A_9 = arith.addi %scan3A_7, %scan3A_8 : i32
    %scan3A_10 = arith.constant 1 : i32
    scf.for %scan3A_12 = %scan3A_7 to %scan3A_9 step %scan3A_10  : i32 {
      %mul3A_13 = arith.constant 50 : i32
      %mul3A_14 = arith.muli %add3A, %mul3A_13 : i32
      %add3A_15 = arith.addi %mul3A_14, %scan3A_12 : i32
      %jit3A = arith.constant 8 : i32
      %div3A = arith.divsi %add3A_15, %jit3A : i32
      %sign3A = arith.constant 0 : i32
      %sign3A_16 = arith.cmpi sgt, %add3A_15, %sign3A : i32
      %sign3A_17 = arith.extui %sign3A_16 : i1 to i32
      %sign3A_18 = arith.constant 0 : i32
      %sign3A_19 = arith.cmpi slt, %add3A_15, %sign3A_18 : i32
      %sign3A_20 = arith.extui %sign3A_19 : i1 to i32
      %sign3A_21 = arith.subi %sign3A_17, %sign3A_20 : i32
      %sign3A_22 = arith.constant 0 : i32
      %sign3A_23 = arith.cmpi sgt, %jit3A, %sign3A_22 : i32
      %sign3A_24 = arith.extui %sign3A_23 : i1 to i32
      %sign3A_25 = arith.constant 0 : i32
      %sign3A_26 = arith.cmpi slt, %jit3A, %sign3A_25 : i32
      %sign3A_27 = arith.extui %sign3A_26 : i1 to i32
      %sign3A_28 = arith.subi %sign3A_24, %sign3A_27 : i32
      %ne3A = arith.cmpi ne, %sign3A_21, %sign3A_28 : i32
      %rem3A = arith.remsi %add3A_15, %jit3A : i32
      %ne3A_29 = arith.constant 0 : i32
      %ne3A_30 = arith.cmpi ne, %rem3A, %ne3A_29 : i32
      %and3A = arith.andi %ne3A, %ne3A_30 : i1
      %sub3A = arith.constant 1 : i32
      %sub3A_31 = arith.subi %div3A, %sub3A : i32
      %select_n3A = arith.select %and3A, %sub3A_31, %div3A : i32
      %jit3A_32 = arith.constant 8 : i32
      %eq3A = arith.constant 0 : i32
      %eq3A_33 = arith.cmpi eq, %jit3A_32, %eq3A : i32
      %jit3A_34 = arith.constant 1 : i32
      %select_n3A_35 = arith.select %eq3A_33, %jit3A_34, %jit3A_32 : i32
      %rem3A_36 = arith.remsi %add3A_15, %select_n3A_35 : i32
      %ne3A_37 = arith.constant 0 : i32
      %ne3A_38 = arith.cmpi ne, %rem3A_36, %ne3A_37 : i32
      %lt3A = arith.constant 0 : i32
      %lt3A_39 = arith.cmpi slt, %rem3A_36, %lt3A : i32
      %lt3A_40 = arith.constant 0 : i32
      %lt3A_41 = arith.cmpi slt, %select_n3A_35, %lt3A_40 : i32
      %ne3A_42 = arith.xori %lt3A_39, %lt3A_41 : i1
      %and3A_43 = arith.andi %ne3A_42, %ne3A_38 : i1
      %add3A_44 = arith.addi %rem3A_36, %select_n3A_35 : i32
      %select_n3A_45 = arith.select %and3A_43, %add3A_44, %rem3A_36 : i32
      %mul3A_46 = arith.constant 128 : i32
      %mul3A_47 = arith.muli %select_n3A_45, %mul3A_46 : i32
      %mul3A_48 = arith.constant 1024 : i32
      %mul3A_49 = arith.muli %select_n3A, %mul3A_48 : i32
      %mul3A_50 = arith.constant 128 : i32
      %mul3A_51 = arith.muli %select_n3A_45, %mul3A_50 : i32
      %add3A_52 = arith.addi %mul3A_49, %mul3A_51 : i32
      %dma_wait3A = tpu.memref_slice %arg3[%add3A_52] : memref<204800xi32, #tpu.memory_space<hbm>> -> memref<128xi32, #tpu.memory_space<hbm>>
      %dma_wait3A_53 = tpu.memref_slice %arg2[%select_n3A, %mul3A_47] : memref<200x1024xi32, #tpu.memory_space<hbm>> -> memref<1x128xi32, #tpu.memory_space<hbm>>
      %dma_wait3A_54 = tpu.memref_squeeze %dma_wait3A_53 : memref<1x128xi32, #tpu.memory_space<hbm>> -> memref<128xi32, #tpu.memory_space<hbm>>
      tpu.wait_dma2 semaphore(%arg4 : memref<!tpu.dma_semaphore, #tpu.memory_space<semaphore_mem>>) src(%dma_wait3A_54 : memref<128xi32, #tpu.memory_space<hbm>>) dst(%dma_wait3A : memref<128xi32, #tpu.memory_space<hbm>>)
    }
    %scan3A_11 = arith.constant 50 : i32
    return
  }
}

#map = affine_map<(d0, d1) -> (0, 0)>
#map1 = affine_map<(d0, d1) -> (0)>
module attributes {stable_mosaic.version = 14 : i64} {
  func.func @_body(%arg0: i32, %arg1: i32, %arg2: memref<1000000x64xf32, #tpu.memory_space<hbm>>, %arg3: memref<204800xi32, #tpu.memory_space<hbm>>, %arg4: memref<204800x64xf32, #tpu.memory_space<hbm>>, %arg5: memref<6400xi32, #tpu.memory_space<vmem>>, %arg6: memref<5x128x64xf32, #tpu.memory_space<vmem>>, %arg7: memref<5x!tpu.dma_semaphore, #tpu.memory_space<semaphore_mem>>, %arg8: memref<5x!tpu.dma_semaphore, #tpu.memory_space<semaphore_mem>>, %arg9: memref<!tpu.dma_semaphore, #tpu.memory_space<semaphore_mem>>) attributes {dimension_semantics = [#tpu.dimension_semantics<core_parallel>, #tpu.dimension_semantics<subcore_parallel>], iteration_bounds = array<i64: 2, 16>, scalar_prefetch = 0 : i64, scratch_operands = 5 : i64, tpu.core_type = #tpu.core_type<sc_vector_subcore>, window_params = [{transform_indices = #map}, {transform_indices = #map1}, {transform_indices = #map}]} {
    %mul3A = arith.constant 2 : i32
    %mul3A_0 = arith.muli %arg1, %mul3A : i32
    %add3A = arith.addi %mul3A_0, %arg0 : i32
    %mul3A_1 = arith.constant 6400 : i32
    %mul3A_2 = arith.muli %add3A, %mul3A_1 : i32
    %scan3A = arith.constant 0 : i32
    %scan3A_3 = arith.constant 0 : i32
    %scan3A_4 = arith.constant 50 : i32
    %scan3A_5 = arith.addi %scan3A_3, %scan3A_4 : i32
    %scan3A_6 = arith.constant 1 : i32
    scf.for %scan3A_84 = %scan3A_3 to %scan3A_5 step %scan3A_6  : i32 {
      %mul3A_85 = arith.constant 128 : i32
      %mul3A_86 = arith.muli %scan3A_84, %mul3A_85 : i32
      %add3A_87 = arith.addi %mul3A_2, %mul3A_86 : i32
      %mul3A_88 = arith.constant 128 : i32
      %mul3A_89 = arith.muli %scan3A_84, %mul3A_88 : i32
      %dma_start3A_90 = tpu.memref_slice %arg5[%mul3A_89] : memref<6400xi32, #tpu.memory_space<vmem>> -> memref<128xi32, #tpu.memory_space<vmem>>
      %dma_start3A_91 = tpu.memref_slice %arg3[%add3A_87] : memref<204800xi32, #tpu.memory_space<hbm>> -> memref<128xi32, #tpu.memory_space<hbm>>
      %dma_start3A_92 = tpu.memref_slice %arg5[%mul3A_89] : memref<6400xi32, #tpu.memory_space<vmem>> -> memref<128xi32, #tpu.memory_space<vmem>>
      %dma_start3A_93 = tpu.memref_slice %arg3[%add3A_87] : memref<204800xi32, #tpu.memory_space<hbm>> -> memref<128xi32, #tpu.memory_space<hbm>>
      tpu.enqueue_dma source(%dma_start3A_93 : memref<128xi32, #tpu.memory_space<hbm>>) target(%dma_start3A_92 : memref<128xi32, #tpu.memory_space<vmem>>) target_semaphore(%arg9 : memref<!tpu.dma_semaphore, #tpu.memory_space<semaphore_mem>>)
    }
    %scan3A_7 = arith.constant 50 : i32
    %scan3A_8 = arith.constant 0 : i32
    %scan3A_9 = arith.constant 0 : i32
    %scan3A_10 = arith.constant 50 : i32
    %scan3A_11 = arith.addi %scan3A_9, %scan3A_10 : i32
    %scan3A_12 = arith.constant 1 : i32
    scf.for %scan3A_84 = %scan3A_9 to %scan3A_11 step %scan3A_12  : i32 {
      %mul3A_85 = arith.constant 128 : i32
      %mul3A_86 = arith.muli %scan3A_84, %mul3A_85 : i32
      %add3A_87 = arith.addi %mul3A_2, %mul3A_86 : i32
      %mul3A_88 = arith.constant 128 : i32
      %mul3A_89 = arith.muli %scan3A_84, %mul3A_88 : i32
      %dma_wait3A = tpu.memref_slice %arg5[%mul3A_89] : memref<6400xi32, #tpu.memory_space<vmem>> -> memref<128xi32, #tpu.memory_space<vmem>>
      %dma_wait3A_90 = tpu.memref_slice %arg3[%add3A_87] : memref<204800xi32, #tpu.memory_space<hbm>> -> memref<128xi32, #tpu.memory_space<hbm>>
      %dma_wait3A_91 = tpu.memref_slice %arg5[%mul3A_89] : memref<6400xi32, #tpu.memory_space<vmem>> -> memref<128xi32, #tpu.memory_space<vmem>>
      %dma_wait3A_92 = tpu.memref_slice %arg3[%add3A_87] : memref<204800xi32, #tpu.memory_space<hbm>> -> memref<128xi32, #tpu.memory_space<hbm>>
      tpu.wait_dma2 semaphore(%arg9 : memref<!tpu.dma_semaphore, #tpu.memory_space<semaphore_mem>>) src(%dma_wait3A_92 : memref<128xi32, #tpu.memory_space<hbm>>) dst(%dma_wait3A_91 : memref<128xi32, #tpu.memory_space<vmem>>)
    }
    %scan3A_13 = arith.constant 50 : i32
    %dma_start3A = arith.constant 0 : i32
    %dma_start3A_14 = arith.constant 0 : i32
    %dma_start3A_15 = arith.constant 0 : i32
    %dma_start3A_16 = arith.constant 0 : i32
    %dma_start3A_17 = tpu.memref_slice %arg6[%dma_start3A, %dma_start3A_15, %dma_start3A_16] : memref<5x128x64xf32, #tpu.memory_space<vmem>> -> memref<1x128x64xf32, #tpu.memory_space<vmem>>
    %dma_start3A_18 = tpu.memref_squeeze %dma_start3A_17 : memref<1x128x64xf32, #tpu.memory_space<vmem>> -> memref<128x64xf32, #tpu.memory_space<vmem>>
    %dma_start3A_19 = arith.constant 0 : i32
    %dma_start3A_20 = tpu.memref_slice %arg5[%dma_start3A_19] : memref<6400xi32, #tpu.memory_space<vmem>> -> memref<128xi32, #tpu.memory_space<vmem>>
    %dma_start3A_21 = arith.constant 0 : i32
    %dma_start3A_22 = arith.constant 0 : i32
    %dma_start3A_23 = tpu.memref_slice %arg2[%dma_start3A_21, %dma_start3A_22] : memref<1000000x64xf32, #tpu.memory_space<hbm>> -> memref<1000000x64xf32, #tpu.memory_space<hbm>>
    %dma_start3A_24 = tpu.memref_slice %arg7[%dma_start3A_14] : memref<5x!tpu.dma_semaphore, #tpu.memory_space<semaphore_mem>> -> memref<1x!tpu.dma_semaphore, #tpu.memory_space<semaphore_mem>>
    %dma_start3A_25 = tpu.memref_squeeze %dma_start3A_24 : memref<1x!tpu.dma_semaphore, #tpu.memory_space<semaphore_mem>> -> memref<!tpu.dma_semaphore, #tpu.memory_space<semaphore_mem>>
    tpu.enqueue_indirect_dma source(%dma_start3A_23 : memref<1000000x64xf32, #tpu.memory_space<hbm>>) target(%dma_start3A_18 : memref<128x64xf32, #tpu.memory_space<vmem>>) offsets(%dma_start3A_20 : memref<128xi32, #tpu.memory_space<vmem>>) semaphore(%dma_start3A_25 : memref<!tpu.dma_semaphore, #tpu.memory_space<semaphore_mem>>)
    %dma_start3A_26 = arith.constant 1 : i32
    %dma_start3A_27 = arith.constant 1 : i32
    %dma_start3A_28 = arith.constant 0 : i32
    %dma_start3A_29 = arith.constant 0 : i32
    %dma_start3A_30 = tpu.memref_slice %arg6[%dma_start3A_26, %dma_start3A_28, %dma_start3A_29] : memref<5x128x64xf32, #tpu.memory_space<vmem>> -> memref<1x128x64xf32, #tpu.memory_space<vmem>>
    %dma_start3A_31 = tpu.memref_squeeze %dma_start3A_30 : memref<1x128x64xf32, #tpu.memory_space<vmem>> -> memref<128x64xf32, #tpu.memory_space<vmem>>
    %dma_start3A_32 = arith.constant 128 : i32
    %dma_start3A_33 = tpu.memref_slice %arg5[%dma_start3A_32] : memref<6400xi32, #tpu.memory_space<vmem>> -> memref<128xi32, #tpu.memory_space<vmem>>
    %dma_start3A_34 = arith.constant 0 : i32
    %dma_start3A_35 = arith.constant 0 : i32
    %dma_start3A_36 = tpu.memref_slice %arg2[%dma_start3A_34, %dma_start3A_35] : memref<1000000x64xf32, #tpu.memory_space<hbm>> -> memref<1000000x64xf32, #tpu.memory_space<hbm>>
    %dma_start3A_37 = tpu.memref_slice %arg7[%dma_start3A_27] : memref<5x!tpu.dma_semaphore, #tpu.memory_space<semaphore_mem>> -> memref<1x!tpu.dma_semaphore, #tpu.memory_space<semaphore_mem>>
    %dma_start3A_38 = tpu.memref_squeeze %dma_start3A_37 : memref<1x!tpu.dma_semaphore, #tpu.memory_space<semaphore_mem>> -> memref<!tpu.dma_semaphore, #tpu.memory_space<semaphore_mem>>
    tpu.enqueue_indirect_dma source(%dma_start3A_36 : memref<1000000x64xf32, #tpu.memory_space<hbm>>) target(%dma_start3A_31 : memref<128x64xf32, #tpu.memory_space<vmem>>) offsets(%dma_start3A_33 : memref<128xi32, #tpu.memory_space<vmem>>) semaphore(%dma_start3A_38 : memref<!tpu.dma_semaphore, #tpu.memory_space<semaphore_mem>>)
    %dma_start3A_39 = arith.constant 2 : i32
    %dma_start3A_40 = arith.constant 2 : i32
    %dma_start3A_41 = arith.constant 0 : i32
    %dma_start3A_42 = arith.constant 0 : i32
    %dma_start3A_43 = tpu.memref_slice %arg6[%dma_start3A_39, %dma_start3A_41, %dma_start3A_42] : memref<5x128x64xf32, #tpu.memory_space<vmem>> -> memref<1x128x64xf32, #tpu.memory_space<vmem>>
    %dma_start3A_44 = tpu.memref_squeeze %dma_start3A_43 : memref<1x128x64xf32, #tpu.memory_space<vmem>> -> memref<128x64xf32, #tpu.memory_space<vmem>>
    %dma_start3A_45 = arith.constant 256 : i32
    %dma_start3A_46 = tpu.memref_slice %arg5[%dma_start3A_45] : memref<6400xi32, #tpu.memory_space<vmem>> -> memref<128xi32, #tpu.memory_space<vmem>>
    %dma_start3A_47 = arith.constant 0 : i32
    %dma_start3A_48 = arith.constant 0 : i32
    %dma_start3A_49 = tpu.memref_slice %arg2[%dma_start3A_47, %dma_start3A_48] : memref<1000000x64xf32, #tpu.memory_space<hbm>> -> memref<1000000x64xf32, #tpu.memory_space<hbm>>
    %dma_start3A_50 = tpu.memref_slice %arg7[%dma_start3A_40] : memref<5x!tpu.dma_semaphore, #tpu.memory_space<semaphore_mem>> -> memref<1x!tpu.dma_semaphore, #tpu.memory_space<semaphore_mem>>
    %dma_start3A_51 = tpu.memref_squeeze %dma_start3A_50 : memref<1x!tpu.dma_semaphore, #tpu.memory_space<semaphore_mem>> -> memref<!tpu.dma_semaphore, #tpu.memory_space<semaphore_mem>>
    tpu.enqueue_indirect_dma source(%dma_start3A_49 : memref<1000000x64xf32, #tpu.memory_space<hbm>>) target(%dma_start3A_44 : memref<128x64xf32, #tpu.memory_space<vmem>>) offsets(%dma_start3A_46 : memref<128xi32, #tpu.memory_space<vmem>>) semaphore(%dma_start3A_51 : memref<!tpu.dma_semaphore, #tpu.memory_space<semaphore_mem>>)
    %dma_start3A_52 = arith.constant 3 : i32
    %dma_start3A_53 = arith.constant 3 : i32
    %dma_start3A_54 = arith.constant 0 : i32
    %dma_start3A_55 = arith.constant 0 : i32
    %dma_start3A_56 = tpu.memref_slice %arg6[%dma_start3A_52, %dma_start3A_54, %dma_start3A_55] : memref<5x128x64xf32, #tpu.memory_space<vmem>> -> memref<1x128x64xf32, #tpu.memory_space<vmem>>
    %dma_start3A_57 = tpu.memref_squeeze %dma_start3A_56 : memref<1x128x64xf32, #tpu.memory_space<vmem>> -> memref<128x64xf32, #tpu.memory_space<vmem>>
    %dma_start3A_58 = arith.constant 384 : i32
    %dma_start3A_59 = tpu.memref_slice %arg5[%dma_start3A_58] : memref<6400xi32, #tpu.memory_space<vmem>> -> memref<128xi32, #tpu.memory_space<vmem>>
    %dma_start3A_60 = arith.constant 0 : i32
    %dma_start3A_61 = arith.constant 0 : i32
    %dma_start3A_62 = tpu.memref_slice %arg2[%dma_start3A_60, %dma_start3A_61] : memref<1000000x64xf32, #tpu.memory_space<hbm>> -> memref<1000000x64xf32, #tpu.memory_space<hbm>>
    %dma_start3A_63 = tpu.memref_slice %arg7[%dma_start3A_53] : memref<5x!tpu.dma_semaphore, #tpu.memory_space<semaphore_mem>> -> memref<1x!tpu.dma_semaphore, #tpu.memory_space<semaphore_mem>>
    %dma_start3A_64 = tpu.memref_squeeze %dma_start3A_63 : memref<1x!tpu.dma_semaphore, #tpu.memory_space<semaphore_mem>> -> memref<!tpu.dma_semaphore, #tpu.memory_space<semaphore_mem>>
    tpu.enqueue_indirect_dma source(%dma_start3A_62 : memref<1000000x64xf32, #tpu.memory_space<hbm>>) target(%dma_start3A_57 : memref<128x64xf32, #tpu.memory_space<vmem>>) offsets(%dma_start3A_59 : memref<128xi32, #tpu.memory_space<vmem>>) semaphore(%dma_start3A_64 : memref<!tpu.dma_semaphore, #tpu.memory_space<semaphore_mem>>)
    %dma_start3A_65 = arith.constant 4 : i32
    %dma_start3A_66 = arith.constant 4 : i32
    %dma_start3A_67 = arith.constant 0 : i32
    %dma_start3A_68 = arith.constant 0 : i32
    %dma_start3A_69 = tpu.memref_slice %arg6[%dma_start3A_65, %dma_start3A_67, %dma_start3A_68] : memref<5x128x64xf32, #tpu.memory_space<vmem>> -> memref<1x128x64xf32, #tpu.memory_space<vmem>>
    %dma_start3A_70 = tpu.memref_squeeze %dma_start3A_69 : memref<1x128x64xf32, #tpu.memory_space<vmem>> -> memref<128x64xf32, #tpu.memory_space<vmem>>
    %dma_start3A_71 = arith.constant 512 : i32
    %dma_start3A_72 = tpu.memref_slice %arg5[%dma_start3A_71] : memref<6400xi32, #tpu.memory_space<vmem>> -> memref<128xi32, #tpu.memory_space<vmem>>
    %dma_start3A_73 = arith.constant 0 : i32
    %dma_start3A_74 = arith.constant 0 : i32
    %dma_start3A_75 = tpu.memref_slice %arg2[%dma_start3A_73, %dma_start3A_74] : memref<1000000x64xf32, #tpu.memory_space<hbm>> -> memref<1000000x64xf32, #tpu.memory_space<hbm>>
    %dma_start3A_76 = tpu.memref_slice %arg7[%dma_start3A_66] : memref<5x!tpu.dma_semaphore, #tpu.memory_space<semaphore_mem>> -> memref<1x!tpu.dma_semaphore, #tpu.memory_space<semaphore_mem>>
    %dma_start3A_77 = tpu.memref_squeeze %dma_start3A_76 : memref<1x!tpu.dma_semaphore, #tpu.memory_space<semaphore_mem>> -> memref<!tpu.dma_semaphore, #tpu.memory_space<semaphore_mem>>
    tpu.enqueue_indirect_dma source(%dma_start3A_75 : memref<1000000x64xf32, #tpu.memory_space<hbm>>) target(%dma_start3A_70 : memref<128x64xf32, #tpu.memory_space<vmem>>) offsets(%dma_start3A_72 : memref<128xi32, #tpu.memory_space<vmem>>) semaphore(%dma_start3A_77 : memref<!tpu.dma_semaphore, #tpu.memory_space<semaphore_mem>>)
    %scan3A_78 = arith.constant 0 : i32
    %scan3A_79 = arith.constant 0 : i32
    %scan3A_80 = arith.constant 10 : i32
    %scan3A_81 = arith.addi %scan3A_79, %scan3A_80 : i32
    %scan3A_82 = arith.constant 1 : i32
    scf.for %scan3A_84 = %scan3A_79 to %scan3A_81 step %scan3A_82  : i32 {
      %mul3A_85 = arith.constant 5 : i32
      %mul3A_86 = arith.muli %scan3A_84, %mul3A_85 : i32
      %add3A_87 = arith.constant 0 : i32
      %add3A_88 = arith.addi %mul3A_86, %add3A_87 : i32
      %mul3A_89 = arith.constant 128 : i32
      %mul3A_90 = arith.muli %add3A_88, %mul3A_89 : i32
      %dma_wait3A = arith.constant 0 : i32
      %dma_wait3A_91 = arith.constant 0 : i32
      %dma_wait3A_92 = arith.constant 0 : i32
      %dma_wait3A_93 = arith.constant 0 : i32
      %dma_wait3A_94 = tpu.memref_slice %arg6[%dma_wait3A, %dma_wait3A_92, %dma_wait3A_93] : memref<5x128x64xf32, #tpu.memory_space<vmem>> -> memref<1x128x64xf32, #tpu.memory_space<vmem>>
      %dma_wait3A_95 = tpu.memref_squeeze %dma_wait3A_94 : memref<1x128x64xf32, #tpu.memory_space<vmem>> -> memref<128x64xf32, #tpu.memory_space<vmem>>
      %dma_wait3A_96 = tpu.memref_slice %arg5[%mul3A_90] : memref<6400xi32, #tpu.memory_space<vmem>> -> memref<128xi32, #tpu.memory_space<vmem>>
      %dma_wait3A_97 = arith.constant 0 : i32
      %dma_wait3A_98 = arith.constant 0 : i32
      %dma_wait3A_99 = tpu.memref_slice %arg2[%dma_wait3A_97, %dma_wait3A_98] : memref<1000000x64xf32, #tpu.memory_space<hbm>> -> memref<1000000x64xf32, #tpu.memory_space<hbm>>
      %dma_wait3A_100 = tpu.memref_slice %arg7[%dma_wait3A_91] : memref<5x!tpu.dma_semaphore, #tpu.memory_space<semaphore_mem>> -> memref<1x!tpu.dma_semaphore, #tpu.memory_space<semaphore_mem>>
      %dma_wait3A_101 = tpu.memref_squeeze %dma_wait3A_100 : memref<1x!tpu.dma_semaphore, #tpu.memory_space<semaphore_mem>> -> memref<!tpu.dma_semaphore, #tpu.memory_space<semaphore_mem>>
      tpu.wait_indirect_dma semaphore(%dma_wait3A_101 : memref<!tpu.dma_semaphore, #tpu.memory_space<semaphore_mem>>) src(%dma_wait3A_99 : memref<1000000x64xf32, #tpu.memory_space<hbm>>) dst(%dma_wait3A_95 : memref<128x64xf32, #tpu.memory_space<vmem>>)
      %mul3A_102 = arith.constant 128 : i32
      %mul3A_103 = arith.muli %add3A_88, %mul3A_102 : i32
      %add3A_104 = arith.addi %mul3A_2, %mul3A_103 : i32
      %dma_start3A_105 = arith.constant 0 : i32
      %dma_start3A_106 = arith.constant 0 : i32
      %dma_start3A_107 = arith.constant 0 : i32
      %dma_start3A_108 = arith.constant 0 : i32
      %dma_start3A_109 = tpu.memref_slice %arg6[%dma_start3A_105, %dma_start3A_107, %dma_start3A_108] : memref<5x128x64xf32, #tpu.memory_space<vmem>> -> memref<1x128x64xf32, #tpu.memory_space<vmem>>
      %dma_start3A_110 = tpu.memref_squeeze %dma_start3A_109 : memref<1x128x64xf32, #tpu.memory_space<vmem>> -> memref<128x64xf32, #tpu.memory_space<vmem>>
      %dma_start3A_111 = arith.constant 0 : i32
      %dma_start3A_112 = tpu.memref_slice %arg4[%add3A_104, %dma_start3A_111] : memref<204800x64xf32, #tpu.memory_space<hbm>> -> memref<128x64xf32, #tpu.memory_space<hbm>>
      %dma_start3A_113 = tpu.memref_slice %arg8[%dma_start3A_106] : memref<5x!tpu.dma_semaphore, #tpu.memory_space<semaphore_mem>> -> memref<1x!tpu.dma_semaphore, #tpu.memory_space<semaphore_mem>>
      %dma_start3A_114 = tpu.memref_squeeze %dma_start3A_113 : memref<1x!tpu.dma_semaphore, #tpu.memory_space<semaphore_mem>> -> memref<!tpu.dma_semaphore, #tpu.memory_space<semaphore_mem>>
      %dma_start3A_115 = arith.constant 0 : i32
      %dma_start3A_116 = tpu.memref_slice %arg4[%add3A_104, %dma_start3A_115] : memref<204800x64xf32, #tpu.memory_space<hbm>> -> memref<128x64xf32, #tpu.memory_space<hbm>>
      %dma_start3A_117 = arith.constant 0 : i32
      %dma_start3A_118 = arith.constant 0 : i32
      %dma_start3A_119 = tpu.memref_slice %arg6[%dma_start3A_105, %dma_start3A_117, %dma_start3A_118] : memref<5x128x64xf32, #tpu.memory_space<vmem>> -> memref<1x128x64xf32, #tpu.memory_space<vmem>>
      %dma_start3A_120 = tpu.memref_squeeze %dma_start3A_119 : memref<1x128x64xf32, #tpu.memory_space<vmem>> -> memref<128x64xf32, #tpu.memory_space<vmem>>
      tpu.enqueue_dma source(%dma_start3A_120 : memref<128x64xf32, #tpu.memory_space<vmem>>) target(%dma_start3A_116 : memref<128x64xf32, #tpu.memory_space<hbm>>) target_semaphore(%dma_start3A_114 : memref<!tpu.dma_semaphore, #tpu.memory_space<semaphore_mem>>)
      %mul3A_121 = arith.constant 5 : i32
      %mul3A_122 = arith.muli %scan3A_84, %mul3A_121 : i32
      %add3A_123 = arith.constant 1 : i32
      %add3A_124 = arith.addi %mul3A_122, %add3A_123 : i32
      %mul3A_125 = arith.constant 128 : i32
      %mul3A_126 = arith.muli %add3A_124, %mul3A_125 : i32
      %dma_wait3A_127 = arith.constant 1 : i32
      %dma_wait3A_128 = arith.constant 1 : i32
      %dma_wait3A_129 = arith.constant 0 : i32
      %dma_wait3A_130 = arith.constant 0 : i32
      %dma_wait3A_131 = tpu.memref_slice %arg6[%dma_wait3A_127, %dma_wait3A_129, %dma_wait3A_130] : memref<5x128x64xf32, #tpu.memory_space<vmem>> -> memref<1x128x64xf32, #tpu.memory_space<vmem>>
      %dma_wait3A_132 = tpu.memref_squeeze %dma_wait3A_131 : memref<1x128x64xf32, #tpu.memory_space<vmem>> -> memref<128x64xf32, #tpu.memory_space<vmem>>
      %dma_wait3A_133 = tpu.memref_slice %arg5[%mul3A_126] : memref<6400xi32, #tpu.memory_space<vmem>> -> memref<128xi32, #tpu.memory_space<vmem>>
      %dma_wait3A_134 = arith.constant 0 : i32
      %dma_wait3A_135 = arith.constant 0 : i32
      %dma_wait3A_136 = tpu.memref_slice %arg2[%dma_wait3A_134, %dma_wait3A_135] : memref<1000000x64xf32, #tpu.memory_space<hbm>> -> memref<1000000x64xf32, #tpu.memory_space<hbm>>
      %dma_wait3A_137 = tpu.memref_slice %arg7[%dma_wait3A_128] : memref<5x!tpu.dma_semaphore, #tpu.memory_space<semaphore_mem>> -> memref<1x!tpu.dma_semaphore, #tpu.memory_space<semaphore_mem>>
      %dma_wait3A_138 = tpu.memref_squeeze %dma_wait3A_137 : memref<1x!tpu.dma_semaphore, #tpu.memory_space<semaphore_mem>> -> memref<!tpu.dma_semaphore, #tpu.memory_space<semaphore_mem>>
      tpu.wait_indirect_dma semaphore(%dma_wait3A_138 : memref<!tpu.dma_semaphore, #tpu.memory_space<semaphore_mem>>) src(%dma_wait3A_136 : memref<1000000x64xf32, #tpu.memory_space<hbm>>) dst(%dma_wait3A_132 : memref<128x64xf32, #tpu.memory_space<vmem>>)
      %mul3A_139 = arith.constant 128 : i32
      %mul3A_140 = arith.muli %add3A_124, %mul3A_139 : i32
      %add3A_141 = arith.addi %mul3A_2, %mul3A_140 : i32
      %dma_start3A_142 = arith.constant 1 : i32
      %dma_start3A_143 = arith.constant 1 : i32
      %dma_start3A_144 = arith.constant 0 : i32
      %dma_start3A_145 = arith.constant 0 : i32
      %dma_start3A_146 = tpu.memref_slice %arg6[%dma_start3A_142, %dma_start3A_144, %dma_start3A_145] : memref<5x128x64xf32, #tpu.memory_space<vmem>> -> memref<1x128x64xf32, #tpu.memory_space<vmem>>
      %dma_start3A_147 = tpu.memref_squeeze %dma_start3A_146 : memref<1x128x64xf32, #tpu.memory_space<vmem>> -> memref<128x64xf32, #tpu.memory_space<vmem>>
      %dma_start3A_148 = arith.constant 0 : i32
      %dma_start3A_149 = tpu.memref_slice %arg4[%add3A_141, %dma_start3A_148] : memref<204800x64xf32, #tpu.memory_space<hbm>> -> memref<128x64xf32, #tpu.memory_space<hbm>>
      %dma_start3A_150 = tpu.memref_slice %arg8[%dma_start3A_143] : memref<5x!tpu.dma_semaphore, #tpu.memory_space<semaphore_mem>> -> memref<1x!tpu.dma_semaphore, #tpu.memory_space<semaphore_mem>>
      %dma_start3A_151 = tpu.memref_squeeze %dma_start3A_150 : memref<1x!tpu.dma_semaphore, #tpu.memory_space<semaphore_mem>> -> memref<!tpu.dma_semaphore, #tpu.memory_space<semaphore_mem>>
      %dma_start3A_152 = arith.constant 0 : i32
      %dma_start3A_153 = tpu.memref_slice %arg4[%add3A_141, %dma_start3A_152] : memref<204800x64xf32, #tpu.memory_space<hbm>> -> memref<128x64xf32, #tpu.memory_space<hbm>>
      %dma_start3A_154 = arith.constant 0 : i32
      %dma_start3A_155 = arith.constant 0 : i32
      %dma_start3A_156 = tpu.memref_slice %arg6[%dma_start3A_142, %dma_start3A_154, %dma_start3A_155] : memref<5x128x64xf32, #tpu.memory_space<vmem>> -> memref<1x128x64xf32, #tpu.memory_space<vmem>>
      %dma_start3A_157 = tpu.memref_squeeze %dma_start3A_156 : memref<1x128x64xf32, #tpu.memory_space<vmem>> -> memref<128x64xf32, #tpu.memory_space<vmem>>
      tpu.enqueue_dma source(%dma_start3A_157 : memref<128x64xf32, #tpu.memory_space<vmem>>) target(%dma_start3A_153 : memref<128x64xf32, #tpu.memory_space<hbm>>) target_semaphore(%dma_start3A_151 : memref<!tpu.dma_semaphore, #tpu.memory_space<semaphore_mem>>)
      %mul3A_158 = arith.constant 5 : i32
      %mul3A_159 = arith.muli %scan3A_84, %mul3A_158 : i32
      %add3A_160 = arith.constant 2 : i32
      %add3A_161 = arith.addi %mul3A_159, %add3A_160 : i32
      %mul3A_162 = arith.constant 128 : i32
      %mul3A_163 = arith.muli %add3A_161, %mul3A_162 : i32
      %dma_wait3A_164 = arith.constant 2 : i32
      %dma_wait3A_165 = arith.constant 2 : i32
      %dma_wait3A_166 = arith.constant 0 : i32
      %dma_wait3A_167 = arith.constant 0 : i32
      %dma_wait3A_168 = tpu.memref_slice %arg6[%dma_wait3A_164, %dma_wait3A_166, %dma_wait3A_167] : memref<5x128x64xf32, #tpu.memory_space<vmem>> -> memref<1x128x64xf32, #tpu.memory_space<vmem>>
      %dma_wait3A_169 = tpu.memref_squeeze %dma_wait3A_168 : memref<1x128x64xf32, #tpu.memory_space<vmem>> -> memref<128x64xf32, #tpu.memory_space<vmem>>
      %dma_wait3A_170 = tpu.memref_slice %arg5[%mul3A_163] : memref<6400xi32, #tpu.memory_space<vmem>> -> memref<128xi32, #tpu.memory_space<vmem>>
      %dma_wait3A_171 = arith.constant 0 : i32
      %dma_wait3A_172 = arith.constant 0 : i32
      %dma_wait3A_173 = tpu.memref_slice %arg2[%dma_wait3A_171, %dma_wait3A_172] : memref<1000000x64xf32, #tpu.memory_space<hbm>> -> memref<1000000x64xf32, #tpu.memory_space<hbm>>
      %dma_wait3A_174 = tpu.memref_slice %arg7[%dma_wait3A_165] : memref<5x!tpu.dma_semaphore, #tpu.memory_space<semaphore_mem>> -> memref<1x!tpu.dma_semaphore, #tpu.memory_space<semaphore_mem>>
      %dma_wait3A_175 = tpu.memref_squeeze %dma_wait3A_174 : memref<1x!tpu.dma_semaphore, #tpu.memory_space<semaphore_mem>> -> memref<!tpu.dma_semaphore, #tpu.memory_space<semaphore_mem>>
      tpu.wait_indirect_dma semaphore(%dma_wait3A_175 : memref<!tpu.dma_semaphore, #tpu.memory_space<semaphore_mem>>) src(%dma_wait3A_173 : memref<1000000x64xf32, #tpu.memory_space<hbm>>) dst(%dma_wait3A_169 : memref<128x64xf32, #tpu.memory_space<vmem>>)
      %mul3A_176 = arith.constant 128 : i32
      %mul3A_177 = arith.muli %add3A_161, %mul3A_176 : i32
      %add3A_178 = arith.addi %mul3A_2, %mul3A_177 : i32
      %dma_start3A_179 = arith.constant 2 : i32
      %dma_start3A_180 = arith.constant 2 : i32
      %dma_start3A_181 = arith.constant 0 : i32
      %dma_start3A_182 = arith.constant 0 : i32
      %dma_start3A_183 = tpu.memref_slice %arg6[%dma_start3A_179, %dma_start3A_181, %dma_start3A_182] : memref<5x128x64xf32, #tpu.memory_space<vmem>> -> memref<1x128x64xf32, #tpu.memory_space<vmem>>
      %dma_start3A_184 = tpu.memref_squeeze %dma_start3A_183 : memref<1x128x64xf32, #tpu.memory_space<vmem>> -> memref<128x64xf32, #tpu.memory_space<vmem>>
      %dma_start3A_185 = arith.constant 0 : i32
      %dma_start3A_186 = tpu.memref_slice %arg4[%add3A_178, %dma_start3A_185] : memref<204800x64xf32, #tpu.memory_space<hbm>> -> memref<128x64xf32, #tpu.memory_space<hbm>>
      %dma_start3A_187 = tpu.memref_slice %arg8[%dma_start3A_180] : memref<5x!tpu.dma_semaphore, #tpu.memory_space<semaphore_mem>> -> memref<1x!tpu.dma_semaphore, #tpu.memory_space<semaphore_mem>>
      %dma_start3A_188 = tpu.memref_squeeze %dma_start3A_187 : memref<1x!tpu.dma_semaphore, #tpu.memory_space<semaphore_mem>> -> memref<!tpu.dma_semaphore, #tpu.memory_space<semaphore_mem>>
      %dma_start3A_189 = arith.constant 0 : i32
      %dma_start3A_190 = tpu.memref_slice %arg4[%add3A_178, %dma_start3A_189] : memref<204800x64xf32, #tpu.memory_space<hbm>> -> memref<128x64xf32, #tpu.memory_space<hbm>>
      %dma_start3A_191 = arith.constant 0 : i32
      %dma_start3A_192 = arith.constant 0 : i32
      %dma_start3A_193 = tpu.memref_slice %arg6[%dma_start3A_179, %dma_start3A_191, %dma_start3A_192] : memref<5x128x64xf32, #tpu.memory_space<vmem>> -> memref<1x128x64xf32, #tpu.memory_space<vmem>>
      %dma_start3A_194 = tpu.memref_squeeze %dma_start3A_193 : memref<1x128x64xf32, #tpu.memory_space<vmem>> -> memref<128x64xf32, #tpu.memory_space<vmem>>
      tpu.enqueue_dma source(%dma_start3A_194 : memref<128x64xf32, #tpu.memory_space<vmem>>) target(%dma_start3A_190 : memref<128x64xf32, #tpu.memory_space<hbm>>) target_semaphore(%dma_start3A_188 : memref<!tpu.dma_semaphore, #tpu.memory_space<semaphore_mem>>)
      %mul3A_195 = arith.constant 5 : i32
      %mul3A_196 = arith.muli %scan3A_84, %mul3A_195 : i32
      %add3A_197 = arith.constant 3 : i32
      %add3A_198 = arith.addi %mul3A_196, %add3A_197 : i32
      %mul3A_199 = arith.constant 128 : i32
      %mul3A_200 = arith.muli %add3A_198, %mul3A_199 : i32
      %dma_wait3A_201 = arith.constant 3 : i32
      %dma_wait3A_202 = arith.constant 3 : i32
      %dma_wait3A_203 = arith.constant 0 : i32
      %dma_wait3A_204 = arith.constant 0 : i32
      %dma_wait3A_205 = tpu.memref_slice %arg6[%dma_wait3A_201, %dma_wait3A_203, %dma_wait3A_204] : memref<5x128x64xf32, #tpu.memory_space<vmem>> -> memref<1x128x64xf32, #tpu.memory_space<vmem>>
      %dma_wait3A_206 = tpu.memref_squeeze %dma_wait3A_205 : memref<1x128x64xf32, #tpu.memory_space<vmem>> -> memref<128x64xf32, #tpu.memory_space<vmem>>
      %dma_wait3A_207 = tpu.memref_slice %arg5[%mul3A_200] : memref<6400xi32, #tpu.memory_space<vmem>> -> memref<128xi32, #tpu.memory_space<vmem>>
      %dma_wait3A_208 = arith.constant 0 : i32
      %dma_wait3A_209 = arith.constant 0 : i32
      %dma_wait3A_210 = tpu.memref_slice %arg2[%dma_wait3A_208, %dma_wait3A_209] : memref<1000000x64xf32, #tpu.memory_space<hbm>> -> memref<1000000x64xf32, #tpu.memory_space<hbm>>
      %dma_wait3A_211 = tpu.memref_slice %arg7[%dma_wait3A_202] : memref<5x!tpu.dma_semaphore, #tpu.memory_space<semaphore_mem>> -> memref<1x!tpu.dma_semaphore, #tpu.memory_space<semaphore_mem>>
      %dma_wait3A_212 = tpu.memref_squeeze %dma_wait3A_211 : memref<1x!tpu.dma_semaphore, #tpu.memory_space<semaphore_mem>> -> memref<!tpu.dma_semaphore, #tpu.memory_space<semaphore_mem>>
      tpu.wait_indirect_dma semaphore(%dma_wait3A_212 : memref<!tpu.dma_semaphore, #tpu.memory_space<semaphore_mem>>) src(%dma_wait3A_210 : memref<1000000x64xf32, #tpu.memory_space<hbm>>) dst(%dma_wait3A_206 : memref<128x64xf32, #tpu.memory_space<vmem>>)
      %mul3A_213 = arith.constant 128 : i32
      %mul3A_214 = arith.muli %add3A_198, %mul3A_213 : i32
      %add3A_215 = arith.addi %mul3A_2, %mul3A_214 : i32
      %dma_start3A_216 = arith.constant 3 : i32
      %dma_start3A_217 = arith.constant 3 : i32
      %dma_start3A_218 = arith.constant 0 : i32
      %dma_start3A_219 = arith.constant 0 : i32
      %dma_start3A_220 = tpu.memref_slice %arg6[%dma_start3A_216, %dma_start3A_218, %dma_start3A_219] : memref<5x128x64xf32, #tpu.memory_space<vmem>> -> memref<1x128x64xf32, #tpu.memory_space<vmem>>
      %dma_start3A_221 = tpu.memref_squeeze %dma_start3A_220 : memref<1x128x64xf32, #tpu.memory_space<vmem>> -> memref<128x64xf32, #tpu.memory_space<vmem>>
      %dma_start3A_222 = arith.constant 0 : i32
      %dma_start3A_223 = tpu.memref_slice %arg4[%add3A_215, %dma_start3A_222] : memref<204800x64xf32, #tpu.memory_space<hbm>> -> memref<128x64xf32, #tpu.memory_space<hbm>>
      %dma_start3A_224 = tpu.memref_slice %arg8[%dma_start3A_217] : memref<5x!tpu.dma_semaphore, #tpu.memory_space<semaphore_mem>> -> memref<1x!tpu.dma_semaphore, #tpu.memory_space<semaphore_mem>>
      %dma_start3A_225 = tpu.memref_squeeze %dma_start3A_224 : memref<1x!tpu.dma_semaphore, #tpu.memory_space<semaphore_mem>> -> memref<!tpu.dma_semaphore, #tpu.memory_space<semaphore_mem>>
      %dma_start3A_226 = arith.constant 0 : i32
      %dma_start3A_227 = tpu.memref_slice %arg4[%add3A_215, %dma_start3A_226] : memref<204800x64xf32, #tpu.memory_space<hbm>> -> memref<128x64xf32, #tpu.memory_space<hbm>>
      %dma_start3A_228 = arith.constant 0 : i32
      %dma_start3A_229 = arith.constant 0 : i32
      %dma_start3A_230 = tpu.memref_slice %arg6[%dma_start3A_216, %dma_start3A_228, %dma_start3A_229] : memref<5x128x64xf32, #tpu.memory_space<vmem>> -> memref<1x128x64xf32, #tpu.memory_space<vmem>>
      %dma_start3A_231 = tpu.memref_squeeze %dma_start3A_230 : memref<1x128x64xf32, #tpu.memory_space<vmem>> -> memref<128x64xf32, #tpu.memory_space<vmem>>
      tpu.enqueue_dma source(%dma_start3A_231 : memref<128x64xf32, #tpu.memory_space<vmem>>) target(%dma_start3A_227 : memref<128x64xf32, #tpu.memory_space<hbm>>) target_semaphore(%dma_start3A_225 : memref<!tpu.dma_semaphore, #tpu.memory_space<semaphore_mem>>)
      %mul3A_232 = arith.constant 5 : i32
      %mul3A_233 = arith.muli %scan3A_84, %mul3A_232 : i32
      %add3A_234 = arith.constant 4 : i32
      %add3A_235 = arith.addi %mul3A_233, %add3A_234 : i32
      %mul3A_236 = arith.constant 128 : i32
      %mul3A_237 = arith.muli %add3A_235, %mul3A_236 : i32
      %dma_wait3A_238 = arith.constant 4 : i32
      %dma_wait3A_239 = arith.constant 4 : i32
      %dma_wait3A_240 = arith.constant 0 : i32
      %dma_wait3A_241 = arith.constant 0 : i32
      %dma_wait3A_242 = tpu.memref_slice %arg6[%dma_wait3A_238, %dma_wait3A_240, %dma_wait3A_241] : memref<5x128x64xf32, #tpu.memory_space<vmem>> -> memref<1x128x64xf32, #tpu.memory_space<vmem>>
      %dma_wait3A_243 = tpu.memref_squeeze %dma_wait3A_242 : memref<1x128x64xf32, #tpu.memory_space<vmem>> -> memref<128x64xf32, #tpu.memory_space<vmem>>
      %dma_wait3A_244 = tpu.memref_slice %arg5[%mul3A_237] : memref<6400xi32, #tpu.memory_space<vmem>> -> memref<128xi32, #tpu.memory_space<vmem>>
      %dma_wait3A_245 = arith.constant 0 : i32
      %dma_wait3A_246 = arith.constant 0 : i32
      %dma_wait3A_247 = tpu.memref_slice %arg2[%dma_wait3A_245, %dma_wait3A_246] : memref<1000000x64xf32, #tpu.memory_space<hbm>> -> memref<1000000x64xf32, #tpu.memory_space<hbm>>
      %dma_wait3A_248 = tpu.memref_slice %arg7[%dma_wait3A_239] : memref<5x!tpu.dma_semaphore, #tpu.memory_space<semaphore_mem>> -> memref<1x!tpu.dma_semaphore, #tpu.memory_space<semaphore_mem>>
      %dma_wait3A_249 = tpu.memref_squeeze %dma_wait3A_248 : memref<1x!tpu.dma_semaphore, #tpu.memory_space<semaphore_mem>> -> memref<!tpu.dma_semaphore, #tpu.memory_space<semaphore_mem>>
      tpu.wait_indirect_dma semaphore(%dma_wait3A_249 : memref<!tpu.dma_semaphore, #tpu.memory_space<semaphore_mem>>) src(%dma_wait3A_247 : memref<1000000x64xf32, #tpu.memory_space<hbm>>) dst(%dma_wait3A_243 : memref<128x64xf32, #tpu.memory_space<vmem>>)
      %mul3A_250 = arith.constant 128 : i32
      %mul3A_251 = arith.muli %add3A_235, %mul3A_250 : i32
      %add3A_252 = arith.addi %mul3A_2, %mul3A_251 : i32
      %dma_start3A_253 = arith.constant 4 : i32
      %dma_start3A_254 = arith.constant 4 : i32
      %dma_start3A_255 = arith.constant 0 : i32
      %dma_start3A_256 = arith.constant 0 : i32
      %dma_start3A_257 = tpu.memref_slice %arg6[%dma_start3A_253, %dma_start3A_255, %dma_start3A_256] : memref<5x128x64xf32, #tpu.memory_space<vmem>> -> memref<1x128x64xf32, #tpu.memory_space<vmem>>
      %dma_start3A_258 = tpu.memref_squeeze %dma_start3A_257 : memref<1x128x64xf32, #tpu.memory_space<vmem>> -> memref<128x64xf32, #tpu.memory_space<vmem>>
      %dma_start3A_259 = arith.constant 0 : i32
      %dma_start3A_260 = tpu.memref_slice %arg4[%add3A_252, %dma_start3A_259] : memref<204800x64xf32, #tpu.memory_space<hbm>> -> memref<128x64xf32, #tpu.memory_space<hbm>>
      %dma_start3A_261 = tpu.memref_slice %arg8[%dma_start3A_254] : memref<5x!tpu.dma_semaphore, #tpu.memory_space<semaphore_mem>> -> memref<1x!tpu.dma_semaphore, #tpu.memory_space<semaphore_mem>>
      %dma_start3A_262 = tpu.memref_squeeze %dma_start3A_261 : memref<1x!tpu.dma_semaphore, #tpu.memory_space<semaphore_mem>> -> memref<!tpu.dma_semaphore, #tpu.memory_space<semaphore_mem>>
      %dma_start3A_263 = arith.constant 0 : i32
      %dma_start3A_264 = tpu.memref_slice %arg4[%add3A_252, %dma_start3A_263] : memref<204800x64xf32, #tpu.memory_space<hbm>> -> memref<128x64xf32, #tpu.memory_space<hbm>>
      %dma_start3A_265 = arith.constant 0 : i32
      %dma_start3A_266 = arith.constant 0 : i32
      %dma_start3A_267 = tpu.memref_slice %arg6[%dma_start3A_253, %dma_start3A_265, %dma_start3A_266] : memref<5x128x64xf32, #tpu.memory_space<vmem>> -> memref<1x128x64xf32, #tpu.memory_space<vmem>>
      %dma_start3A_268 = tpu.memref_squeeze %dma_start3A_267 : memref<1x128x64xf32, #tpu.memory_space<vmem>> -> memref<128x64xf32, #tpu.memory_space<vmem>>
      tpu.enqueue_dma source(%dma_start3A_268 : memref<128x64xf32, #tpu.memory_space<vmem>>) target(%dma_start3A_264 : memref<128x64xf32, #tpu.memory_space<hbm>>) target_semaphore(%dma_start3A_262 : memref<!tpu.dma_semaphore, #tpu.memory_space<semaphore_mem>>)
      %mul3A_269 = arith.constant 5 : i32
      %mul3A_270 = arith.muli %scan3A_84, %mul3A_269 : i32
      %add3A_271 = arith.constant 0 : i32
      %add3A_272 = arith.addi %mul3A_270, %add3A_271 : i32
      %mul3A_273 = arith.constant 128 : i32
      %mul3A_274 = arith.muli %add3A_272, %mul3A_273 : i32
      %add3A_275 = arith.addi %mul3A_2, %mul3A_274 : i32
      %dma_wait3A_276 = arith.constant 0 : i32
      %dma_wait3A_277 = arith.constant 0 : i32
      %dma_wait3A_278 = arith.constant 0 : i32
      %dma_wait3A_279 = arith.constant 0 : i32
      %dma_wait3A_280 = tpu.memref_slice %arg6[%dma_wait3A_276, %dma_wait3A_278, %dma_wait3A_279] : memref<5x128x64xf32, #tpu.memory_space<vmem>> -> memref<1x128x64xf32, #tpu.memory_space<vmem>>
      %dma_wait3A_281 = tpu.memref_squeeze %dma_wait3A_280 : memref<1x128x64xf32, #tpu.memory_space<vmem>> -> memref<128x64xf32, #tpu.memory_space<vmem>>
      %dma_wait3A_282 = arith.constant 0 : i32
      %dma_wait3A_283 = tpu.memref_slice %arg4[%add3A_275, %dma_wait3A_282] : memref<204800x64xf32, #tpu.memory_space<hbm>> -> memref<128x64xf32, #tpu.memory_space<hbm>>
      %dma_wait3A_284 = tpu.memref_slice %arg8[%dma_wait3A_277] : memref<5x!tpu.dma_semaphore, #tpu.memory_space<semaphore_mem>> -> memref<1x!tpu.dma_semaphore, #tpu.memory_space<semaphore_mem>>
      %dma_wait3A_285 = tpu.memref_squeeze %dma_wait3A_284 : memref<1x!tpu.dma_semaphore, #tpu.memory_space<semaphore_mem>> -> memref<!tpu.dma_semaphore, #tpu.memory_space<semaphore_mem>>
      %dma_wait3A_286 = arith.constant 0 : i32
      %dma_wait3A_287 = tpu.memref_slice %arg4[%add3A_275, %dma_wait3A_286] : memref<204800x64xf32, #tpu.memory_space<hbm>> -> memref<128x64xf32, #tpu.memory_space<hbm>>
      %dma_wait3A_288 = arith.constant 0 : i32
      %dma_wait3A_289 = arith.constant 0 : i32
      %dma_wait3A_290 = tpu.memref_slice %arg6[%dma_wait3A_276, %dma_wait3A_288, %dma_wait3A_289] : memref<5x128x64xf32, #tpu.memory_space<vmem>> -> memref<1x128x64xf32, #tpu.memory_space<vmem>>
      %dma_wait3A_291 = tpu.memref_squeeze %dma_wait3A_290 : memref<1x128x64xf32, #tpu.memory_space<vmem>> -> memref<128x64xf32, #tpu.memory_space<vmem>>
      tpu.wait_dma2 semaphore(%dma_wait3A_285 : memref<!tpu.dma_semaphore, #tpu.memory_space<semaphore_mem>>) src(%dma_wait3A_291 : memref<128x64xf32, #tpu.memory_space<vmem>>) dst(%dma_wait3A_287 : memref<128x64xf32, #tpu.memory_space<hbm>>)
      %lt3A = arith.constant 9 : i32
      %lt3A_292 = arith.cmpi slt, %scan3A_84, %lt3A : i32
      %convert_element_type3A = arith.extui %lt3A_292 : i1 to i32
      %cond3A = arith.constant 0 : i32
      %cond3A_293 = arith.cmpi ne, %convert_element_type3A, %cond3A : i32
      scf.if %cond3A_293 {
        %add3A_406 = arith.constant 5 : i32
        %add3A_407 = arith.addi %add3A_272, %add3A_406 : i32
        %mul3A_408 = arith.constant 128 : i32
        %mul3A_409 = arith.muli %add3A_407, %mul3A_408 : i32
        %dma_start3A_410 = arith.constant 0 : i32
        %dma_start3A_411 = arith.constant 0 : i32
        %dma_start3A_412 = arith.constant 0 : i32
        %dma_start3A_413 = arith.constant 0 : i32
        %dma_start3A_414 = tpu.memref_slice %arg6[%dma_start3A_410, %dma_start3A_412, %dma_start3A_413] : memref<5x128x64xf32, #tpu.memory_space<vmem>> -> memref<1x128x64xf32, #tpu.memory_space<vmem>>
        %dma_start3A_415 = tpu.memref_squeeze %dma_start3A_414 : memref<1x128x64xf32, #tpu.memory_space<vmem>> -> memref<128x64xf32, #tpu.memory_space<vmem>>
        %dma_start3A_416 = tpu.memref_slice %arg5[%mul3A_409] : memref<6400xi32, #tpu.memory_space<vmem>> -> memref<128xi32, #tpu.memory_space<vmem>>
        %dma_start3A_417 = arith.constant 0 : i32
        %dma_start3A_418 = arith.constant 0 : i32
        %dma_start3A_419 = tpu.memref_slice %arg2[%dma_start3A_417, %dma_start3A_418] : memref<1000000x64xf32, #tpu.memory_space<hbm>> -> memref<1000000x64xf32, #tpu.memory_space<hbm>>
        %dma_start3A_420 = tpu.memref_slice %arg7[%dma_start3A_411] : memref<5x!tpu.dma_semaphore, #tpu.memory_space<semaphore_mem>> -> memref<1x!tpu.dma_semaphore, #tpu.memory_space<semaphore_mem>>
        %dma_start3A_421 = tpu.memref_squeeze %dma_start3A_420 : memref<1x!tpu.dma_semaphore, #tpu.memory_space<semaphore_mem>> -> memref<!tpu.dma_semaphore, #tpu.memory_space<semaphore_mem>>
        tpu.enqueue_indirect_dma source(%dma_start3A_419 : memref<1000000x64xf32, #tpu.memory_space<hbm>>) target(%dma_start3A_415 : memref<128x64xf32, #tpu.memory_space<vmem>>) offsets(%dma_start3A_416 : memref<128xi32, #tpu.memory_space<vmem>>) semaphore(%dma_start3A_421 : memref<!tpu.dma_semaphore, #tpu.memory_space<semaphore_mem>>)
      } else {
      }
      %mul3A_294 = arith.constant 5 : i32
      %mul3A_295 = arith.muli %scan3A_84, %mul3A_294 : i32
      %add3A_296 = arith.constant 1 : i32
      %add3A_297 = arith.addi %mul3A_295, %add3A_296 : i32
      %mul3A_298 = arith.constant 128 : i32
      %mul3A_299 = arith.muli %add3A_297, %mul3A_298 : i32
      %add3A_300 = arith.addi %mul3A_2, %mul3A_299 : i32
      %dma_wait3A_301 = arith.constant 1 : i32
      %dma_wait3A_302 = arith.constant 1 : i32
      %dma_wait3A_303 = arith.constant 0 : i32
      %dma_wait3A_304 = arith.constant 0 : i32
      %dma_wait3A_305 = tpu.memref_slice %arg6[%dma_wait3A_301, %dma_wait3A_303, %dma_wait3A_304] : memref<5x128x64xf32, #tpu.memory_space<vmem>> -> memref<1x128x64xf32, #tpu.memory_space<vmem>>
      %dma_wait3A_306 = tpu.memref_squeeze %dma_wait3A_305 : memref<1x128x64xf32, #tpu.memory_space<vmem>> -> memref<128x64xf32, #tpu.memory_space<vmem>>
      %dma_wait3A_307 = arith.constant 0 : i32
      %dma_wait3A_308 = tpu.memref_slice %arg4[%add3A_300, %dma_wait3A_307] : memref<204800x64xf32, #tpu.memory_space<hbm>> -> memref<128x64xf32, #tpu.memory_space<hbm>>
      %dma_wait3A_309 = tpu.memref_slice %arg8[%dma_wait3A_302] : memref<5x!tpu.dma_semaphore, #tpu.memory_space<semaphore_mem>> -> memref<1x!tpu.dma_semaphore, #tpu.memory_space<semaphore_mem>>
      %dma_wait3A_310 = tpu.memref_squeeze %dma_wait3A_309 : memref<1x!tpu.dma_semaphore, #tpu.memory_space<semaphore_mem>> -> memref<!tpu.dma_semaphore, #tpu.memory_space<semaphore_mem>>
      %dma_wait3A_311 = arith.constant 0 : i32
      %dma_wait3A_312 = tpu.memref_slice %arg4[%add3A_300, %dma_wait3A_311] : memref<204800x64xf32, #tpu.memory_space<hbm>> -> memref<128x64xf32, #tpu.memory_space<hbm>>
      %dma_wait3A_313 = arith.constant 0 : i32
      %dma_wait3A_314 = arith.constant 0 : i32
      %dma_wait3A_315 = tpu.memref_slice %arg6[%dma_wait3A_301, %dma_wait3A_313, %dma_wait3A_314] : memref<5x128x64xf32, #tpu.memory_space<vmem>> -> memref<1x128x64xf32, #tpu.memory_space<vmem>>
      %dma_wait3A_316 = tpu.memref_squeeze %dma_wait3A_315 : memref<1x128x64xf32, #tpu.memory_space<vmem>> -> memref<128x64xf32, #tpu.memory_space<vmem>>
      tpu.wait_dma2 semaphore(%dma_wait3A_310 : memref<!tpu.dma_semaphore, #tpu.memory_space<semaphore_mem>>) src(%dma_wait3A_316 : memref<128x64xf32, #tpu.memory_space<vmem>>) dst(%dma_wait3A_312 : memref<128x64xf32, #tpu.memory_space<hbm>>)
      %lt3A_317 = arith.constant 9 : i32
      %lt3A_318 = arith.cmpi slt, %scan3A_84, %lt3A_317 : i32
      %convert_element_type3A_319 = arith.extui %lt3A_318 : i1 to i32
      %cond3A_320 = arith.constant 0 : i32
      %cond3A_321 = arith.cmpi ne, %convert_element_type3A_319, %cond3A_320 : i32
      scf.if %cond3A_321 {
        %add3A_406 = arith.constant 5 : i32
        %add3A_407 = arith.addi %add3A_297, %add3A_406 : i32
        %mul3A_408 = arith.constant 128 : i32
        %mul3A_409 = arith.muli %add3A_407, %mul3A_408 : i32
        %dma_start3A_410 = arith.constant 1 : i32
        %dma_start3A_411 = arith.constant 1 : i32
        %dma_start3A_412 = arith.constant 0 : i32
        %dma_start3A_413 = arith.constant 0 : i32
        %dma_start3A_414 = tpu.memref_slice %arg6[%dma_start3A_410, %dma_start3A_412, %dma_start3A_413] : memref<5x128x64xf32, #tpu.memory_space<vmem>> -> memref<1x128x64xf32, #tpu.memory_space<vmem>>
        %dma_start3A_415 = tpu.memref_squeeze %dma_start3A_414 : memref<1x128x64xf32, #tpu.memory_space<vmem>> -> memref<128x64xf32, #tpu.memory_space<vmem>>
        %dma_start3A_416 = tpu.memref_slice %arg5[%mul3A_409] : memref<6400xi32, #tpu.memory_space<vmem>> -> memref<128xi32, #tpu.memory_space<vmem>>
        %dma_start3A_417 = arith.constant 0 : i32
        %dma_start3A_418 = arith.constant 0 : i32
        %dma_start3A_419 = tpu.memref_slice %arg2[%dma_start3A_417, %dma_start3A_418] : memref<1000000x64xf32, #tpu.memory_space<hbm>> -> memref<1000000x64xf32, #tpu.memory_space<hbm>>
        %dma_start3A_420 = tpu.memref_slice %arg7[%dma_start3A_411] : memref<5x!tpu.dma_semaphore, #tpu.memory_space<semaphore_mem>> -> memref<1x!tpu.dma_semaphore, #tpu.memory_space<semaphore_mem>>
        %dma_start3A_421 = tpu.memref_squeeze %dma_start3A_420 : memref<1x!tpu.dma_semaphore, #tpu.memory_space<semaphore_mem>> -> memref<!tpu.dma_semaphore, #tpu.memory_space<semaphore_mem>>
        tpu.enqueue_indirect_dma source(%dma_start3A_419 : memref<1000000x64xf32, #tpu.memory_space<hbm>>) target(%dma_start3A_415 : memref<128x64xf32, #tpu.memory_space<vmem>>) offsets(%dma_start3A_416 : memref<128xi32, #tpu.memory_space<vmem>>) semaphore(%dma_start3A_421 : memref<!tpu.dma_semaphore, #tpu.memory_space<semaphore_mem>>)
      } else {
      }
      %mul3A_322 = arith.constant 5 : i32
      %mul3A_323 = arith.muli %scan3A_84, %mul3A_322 : i32
      %add3A_324 = arith.constant 2 : i32
      %add3A_325 = arith.addi %mul3A_323, %add3A_324 : i32
      %mul3A_326 = arith.constant 128 : i32
      %mul3A_327 = arith.muli %add3A_325, %mul3A_326 : i32
      %add3A_328 = arith.addi %mul3A_2, %mul3A_327 : i32
      %dma_wait3A_329 = arith.constant 2 : i32
      %dma_wait3A_330 = arith.constant 2 : i32
      %dma_wait3A_331 = arith.constant 0 : i32
      %dma_wait3A_332 = arith.constant 0 : i32
      %dma_wait3A_333 = tpu.memref_slice %arg6[%dma_wait3A_329, %dma_wait3A_331, %dma_wait3A_332] : memref<5x128x64xf32, #tpu.memory_space<vmem>> -> memref<1x128x64xf32, #tpu.memory_space<vmem>>
      %dma_wait3A_334 = tpu.memref_squeeze %dma_wait3A_333 : memref<1x128x64xf32, #tpu.memory_space<vmem>> -> memref<128x64xf32, #tpu.memory_space<vmem>>
      %dma_wait3A_335 = arith.constant 0 : i32
      %dma_wait3A_336 = tpu.memref_slice %arg4[%add3A_328, %dma_wait3A_335] : memref<204800x64xf32, #tpu.memory_space<hbm>> -> memref<128x64xf32, #tpu.memory_space<hbm>>
      %dma_wait3A_337 = tpu.memref_slice %arg8[%dma_wait3A_330] : memref<5x!tpu.dma_semaphore, #tpu.memory_space<semaphore_mem>> -> memref<1x!tpu.dma_semaphore, #tpu.memory_space<semaphore_mem>>
      %dma_wait3A_338 = tpu.memref_squeeze %dma_wait3A_337 : memref<1x!tpu.dma_semaphore, #tpu.memory_space<semaphore_mem>> -> memref<!tpu.dma_semaphore, #tpu.memory_space<semaphore_mem>>
      %dma_wait3A_339 = arith.constant 0 : i32
      %dma_wait3A_340 = tpu.memref_slice %arg4[%add3A_328, %dma_wait3A_339] : memref<204800x64xf32, #tpu.memory_space<hbm>> -> memref<128x64xf32, #tpu.memory_space<hbm>>
      %dma_wait3A_341 = arith.constant 0 : i32
      %dma_wait3A_342 = arith.constant 0 : i32
      %dma_wait3A_343 = tpu.memref_slice %arg6[%dma_wait3A_329, %dma_wait3A_341, %dma_wait3A_342] : memref<5x128x64xf32, #tpu.memory_space<vmem>> -> memref<1x128x64xf32, #tpu.memory_space<vmem>>
      %dma_wait3A_344 = tpu.memref_squeeze %dma_wait3A_343 : memref<1x128x64xf32, #tpu.memory_space<vmem>> -> memref<128x64xf32, #tpu.memory_space<vmem>>
      tpu.wait_dma2 semaphore(%dma_wait3A_338 : memref<!tpu.dma_semaphore, #tpu.memory_space<semaphore_mem>>) src(%dma_wait3A_344 : memref<128x64xf32, #tpu.memory_space<vmem>>) dst(%dma_wait3A_340 : memref<128x64xf32, #tpu.memory_space<hbm>>)
      %lt3A_345 = arith.constant 9 : i32
      %lt3A_346 = arith.cmpi slt, %scan3A_84, %lt3A_345 : i32
      %convert_element_type3A_347 = arith.extui %lt3A_346 : i1 to i32
      %cond3A_348 = arith.constant 0 : i32
      %cond3A_349 = arith.cmpi ne, %convert_element_type3A_347, %cond3A_348 : i32
      scf.if %cond3A_349 {
        %add3A_406 = arith.constant 5 : i32
        %add3A_407 = arith.addi %add3A_325, %add3A_406 : i32
        %mul3A_408 = arith.constant 128 : i32
        %mul3A_409 = arith.muli %add3A_407, %mul3A_408 : i32
        %dma_start3A_410 = arith.constant 2 : i32
        %dma_start3A_411 = arith.constant 2 : i32
        %dma_start3A_412 = arith.constant 0 : i32
        %dma_start3A_413 = arith.constant 0 : i32
        %dma_start3A_414 = tpu.memref_slice %arg6[%dma_start3A_410, %dma_start3A_412, %dma_start3A_413] : memref<5x128x64xf32, #tpu.memory_space<vmem>> -> memref<1x128x64xf32, #tpu.memory_space<vmem>>
        %dma_start3A_415 = tpu.memref_squeeze %dma_start3A_414 : memref<1x128x64xf32, #tpu.memory_space<vmem>> -> memref<128x64xf32, #tpu.memory_space<vmem>>
        %dma_start3A_416 = tpu.memref_slice %arg5[%mul3A_409] : memref<6400xi32, #tpu.memory_space<vmem>> -> memref<128xi32, #tpu.memory_space<vmem>>
        %dma_start3A_417 = arith.constant 0 : i32
        %dma_start3A_418 = arith.constant 0 : i32
        %dma_start3A_419 = tpu.memref_slice %arg2[%dma_start3A_417, %dma_start3A_418] : memref<1000000x64xf32, #tpu.memory_space<hbm>> -> memref<1000000x64xf32, #tpu.memory_space<hbm>>
        %dma_start3A_420 = tpu.memref_slice %arg7[%dma_start3A_411] : memref<5x!tpu.dma_semaphore, #tpu.memory_space<semaphore_mem>> -> memref<1x!tpu.dma_semaphore, #tpu.memory_space<semaphore_mem>>
        %dma_start3A_421 = tpu.memref_squeeze %dma_start3A_420 : memref<1x!tpu.dma_semaphore, #tpu.memory_space<semaphore_mem>> -> memref<!tpu.dma_semaphore, #tpu.memory_space<semaphore_mem>>
        tpu.enqueue_indirect_dma source(%dma_start3A_419 : memref<1000000x64xf32, #tpu.memory_space<hbm>>) target(%dma_start3A_415 : memref<128x64xf32, #tpu.memory_space<vmem>>) offsets(%dma_start3A_416 : memref<128xi32, #tpu.memory_space<vmem>>) semaphore(%dma_start3A_421 : memref<!tpu.dma_semaphore, #tpu.memory_space<semaphore_mem>>)
      } else {
      }
      %mul3A_350 = arith.constant 5 : i32
      %mul3A_351 = arith.muli %scan3A_84, %mul3A_350 : i32
      %add3A_352 = arith.constant 3 : i32
      %add3A_353 = arith.addi %mul3A_351, %add3A_352 : i32
      %mul3A_354 = arith.constant 128 : i32
      %mul3A_355 = arith.muli %add3A_353, %mul3A_354 : i32
      %add3A_356 = arith.addi %mul3A_2, %mul3A_355 : i32
      %dma_wait3A_357 = arith.constant 3 : i32
      %dma_wait3A_358 = arith.constant 3 : i32
      %dma_wait3A_359 = arith.constant 0 : i32
      %dma_wait3A_360 = arith.constant 0 : i32
      %dma_wait3A_361 = tpu.memref_slice %arg6[%dma_wait3A_357, %dma_wait3A_359, %dma_wait3A_360] : memref<5x128x64xf32, #tpu.memory_space<vmem>> -> memref<1x128x64xf32, #tpu.memory_space<vmem>>
      %dma_wait3A_362 = tpu.memref_squeeze %dma_wait3A_361 : memref<1x128x64xf32, #tpu.memory_space<vmem>> -> memref<128x64xf32, #tpu.memory_space<vmem>>
      %dma_wait3A_363 = arith.constant 0 : i32
      %dma_wait3A_364 = tpu.memref_slice %arg4[%add3A_356, %dma_wait3A_363] : memref<204800x64xf32, #tpu.memory_space<hbm>> -> memref<128x64xf32, #tpu.memory_space<hbm>>
      %dma_wait3A_365 = tpu.memref_slice %arg8[%dma_wait3A_358] : memref<5x!tpu.dma_semaphore, #tpu.memory_space<semaphore_mem>> -> memref<1x!tpu.dma_semaphore, #tpu.memory_space<semaphore_mem>>
      %dma_wait3A_366 = tpu.memref_squeeze %dma_wait3A_365 : memref<1x!tpu.dma_semaphore, #tpu.memory_space<semaphore_mem>> -> memref<!tpu.dma_semaphore, #tpu.memory_space<semaphore_mem>>
      %dma_wait3A_367 = arith.constant 0 : i32
      %dma_wait3A_368 = tpu.memref_slice %arg4[%add3A_356, %dma_wait3A_367] : memref<204800x64xf32, #tpu.memory_space<hbm>> -> memref<128x64xf32, #tpu.memory_space<hbm>>
      %dma_wait3A_369 = arith.constant 0 : i32
      %dma_wait3A_370 = arith.constant 0 : i32
      %dma_wait3A_371 = tpu.memref_slice %arg6[%dma_wait3A_357, %dma_wait3A_369, %dma_wait3A_370] : memref<5x128x64xf32, #tpu.memory_space<vmem>> -> memref<1x128x64xf32, #tpu.memory_space<vmem>>
      %dma_wait3A_372 = tpu.memref_squeeze %dma_wait3A_371 : memref<1x128x64xf32, #tpu.memory_space<vmem>> -> memref<128x64xf32, #tpu.memory_space<vmem>>
      tpu.wait_dma2 semaphore(%dma_wait3A_366 : memref<!tpu.dma_semaphore, #tpu.memory_space<semaphore_mem>>) src(%dma_wait3A_372 : memref<128x64xf32, #tpu.memory_space<vmem>>) dst(%dma_wait3A_368 : memref<128x64xf32, #tpu.memory_space<hbm>>)
      %lt3A_373 = arith.constant 9 : i32
      %lt3A_374 = arith.cmpi slt, %scan3A_84, %lt3A_373 : i32
      %convert_element_type3A_375 = arith.extui %lt3A_374 : i1 to i32
      %cond3A_376 = arith.constant 0 : i32
      %cond3A_377 = arith.cmpi ne, %convert_element_type3A_375, %cond3A_376 : i32
      scf.if %cond3A_377 {
        %add3A_406 = arith.constant 5 : i32
        %add3A_407 = arith.addi %add3A_353, %add3A_406 : i32
        %mul3A_408 = arith.constant 128 : i32
        %mul3A_409 = arith.muli %add3A_407, %mul3A_408 : i32
        %dma_start3A_410 = arith.constant 3 : i32
        %dma_start3A_411 = arith.constant 3 : i32
        %dma_start3A_412 = arith.constant 0 : i32
        %dma_start3A_413 = arith.constant 0 : i32
        %dma_start3A_414 = tpu.memref_slice %arg6[%dma_start3A_410, %dma_start3A_412, %dma_start3A_413] : memref<5x128x64xf32, #tpu.memory_space<vmem>> -> memref<1x128x64xf32, #tpu.memory_space<vmem>>
        %dma_start3A_415 = tpu.memref_squeeze %dma_start3A_414 : memref<1x128x64xf32, #tpu.memory_space<vmem>> -> memref<128x64xf32, #tpu.memory_space<vmem>>
        %dma_start3A_416 = tpu.memref_slice %arg5[%mul3A_409] : memref<6400xi32, #tpu.memory_space<vmem>> -> memref<128xi32, #tpu.memory_space<vmem>>
        %dma_start3A_417 = arith.constant 0 : i32
        %dma_start3A_418 = arith.constant 0 : i32
        %dma_start3A_419 = tpu.memref_slice %arg2[%dma_start3A_417, %dma_start3A_418] : memref<1000000x64xf32, #tpu.memory_space<hbm>> -> memref<1000000x64xf32, #tpu.memory_space<hbm>>
        %dma_start3A_420 = tpu.memref_slice %arg7[%dma_start3A_411] : memref<5x!tpu.dma_semaphore, #tpu.memory_space<semaphore_mem>> -> memref<1x!tpu.dma_semaphore, #tpu.memory_space<semaphore_mem>>
        %dma_start3A_421 = tpu.memref_squeeze %dma_start3A_420 : memref<1x!tpu.dma_semaphore, #tpu.memory_space<semaphore_mem>> -> memref<!tpu.dma_semaphore, #tpu.memory_space<semaphore_mem>>
        tpu.enqueue_indirect_dma source(%dma_start3A_419 : memref<1000000x64xf32, #tpu.memory_space<hbm>>) target(%dma_start3A_415 : memref<128x64xf32, #tpu.memory_space<vmem>>) offsets(%dma_start3A_416 : memref<128xi32, #tpu.memory_space<vmem>>) semaphore(%dma_start3A_421 : memref<!tpu.dma_semaphore, #tpu.memory_space<semaphore_mem>>)
      } else {
      }
      %mul3A_378 = arith.constant 5 : i32
      %mul3A_379 = arith.muli %scan3A_84, %mul3A_378 : i32
      %add3A_380 = arith.constant 4 : i32
      %add3A_381 = arith.addi %mul3A_379, %add3A_380 : i32
      %mul3A_382 = arith.constant 128 : i32
      %mul3A_383 = arith.muli %add3A_381, %mul3A_382 : i32
      %add3A_384 = arith.addi %mul3A_2, %mul3A_383 : i32
      %dma_wait3A_385 = arith.constant 4 : i32
      %dma_wait3A_386 = arith.constant 4 : i32
      %dma_wait3A_387 = arith.constant 0 : i32
      %dma_wait3A_388 = arith.constant 0 : i32
      %dma_wait3A_389 = tpu.memref_slice %arg6[%dma_wait3A_385, %dma_wait3A_387, %dma_wait3A_388] : memref<5x128x64xf32, #tpu.memory_space<vmem>> -> memref<1x128x64xf32, #tpu.memory_space<vmem>>
      %dma_wait3A_390 = tpu.memref_squeeze %dma_wait3A_389 : memref<1x128x64xf32, #tpu.memory_space<vmem>> -> memref<128x64xf32, #tpu.memory_space<vmem>>
      %dma_wait3A_391 = arith.constant 0 : i32
      %dma_wait3A_392 = tpu.memref_slice %arg4[%add3A_384, %dma_wait3A_391] : memref<204800x64xf32, #tpu.memory_space<hbm>> -> memref<128x64xf32, #tpu.memory_space<hbm>>
      %dma_wait3A_393 = tpu.memref_slice %arg8[%dma_wait3A_386] : memref<5x!tpu.dma_semaphore, #tpu.memory_space<semaphore_mem>> -> memref<1x!tpu.dma_semaphore, #tpu.memory_space<semaphore_mem>>
      %dma_wait3A_394 = tpu.memref_squeeze %dma_wait3A_393 : memref<1x!tpu.dma_semaphore, #tpu.memory_space<semaphore_mem>> -> memref<!tpu.dma_semaphore, #tpu.memory_space<semaphore_mem>>
      %dma_wait3A_395 = arith.constant 0 : i32
      %dma_wait3A_396 = tpu.memref_slice %arg4[%add3A_384, %dma_wait3A_395] : memref<204800x64xf32, #tpu.memory_space<hbm>> -> memref<128x64xf32, #tpu.memory_space<hbm>>
      %dma_wait3A_397 = arith.constant 0 : i32
      %dma_wait3A_398 = arith.constant 0 : i32
      %dma_wait3A_399 = tpu.memref_slice %arg6[%dma_wait3A_385, %dma_wait3A_397, %dma_wait3A_398] : memref<5x128x64xf32, #tpu.memory_space<vmem>> -> memref<1x128x64xf32, #tpu.memory_space<vmem>>
      %dma_wait3A_400 = tpu.memref_squeeze %dma_wait3A_399 : memref<1x128x64xf32, #tpu.memory_space<vmem>> -> memref<128x64xf32, #tpu.memory_space<vmem>>
      tpu.wait_dma2 semaphore(%dma_wait3A_394 : memref<!tpu.dma_semaphore, #tpu.memory_space<semaphore_mem>>) src(%dma_wait3A_400 : memref<128x64xf32, #tpu.memory_space<vmem>>) dst(%dma_wait3A_396 : memref<128x64xf32, #tpu.memory_space<hbm>>)
      %lt3A_401 = arith.constant 9 : i32
      %lt3A_402 = arith.cmpi slt, %scan3A_84, %lt3A_401 : i32
      %convert_element_type3A_403 = arith.extui %lt3A_402 : i1 to i32
      %cond3A_404 = arith.constant 0 : i32
      %cond3A_405 = arith.cmpi ne, %convert_element_type3A_403, %cond3A_404 : i32
      scf.if %cond3A_405 {
        %add3A_406 = arith.constant 5 : i32
        %add3A_407 = arith.addi %add3A_381, %add3A_406 : i32
        %mul3A_408 = arith.constant 128 : i32
        %mul3A_409 = arith.muli %add3A_407, %mul3A_408 : i32
        %dma_start3A_410 = arith.constant 4 : i32
        %dma_start3A_411 = arith.constant 4 : i32
        %dma_start3A_412 = arith.constant 0 : i32
        %dma_start3A_413 = arith.constant 0 : i32
        %dma_start3A_414 = tpu.memref_slice %arg6[%dma_start3A_410, %dma_start3A_412, %dma_start3A_413] : memref<5x128x64xf32, #tpu.memory_space<vmem>> -> memref<1x128x64xf32, #tpu.memory_space<vmem>>
        %dma_start3A_415 = tpu.memref_squeeze %dma_start3A_414 : memref<1x128x64xf32, #tpu.memory_space<vmem>> -> memref<128x64xf32, #tpu.memory_space<vmem>>
        %dma_start3A_416 = tpu.memref_slice %arg5[%mul3A_409] : memref<6400xi32, #tpu.memory_space<vmem>> -> memref<128xi32, #tpu.memory_space<vmem>>
        %dma_start3A_417 = arith.constant 0 : i32
        %dma_start3A_418 = arith.constant 0 : i32
        %dma_start3A_419 = tpu.memref_slice %arg2[%dma_start3A_417, %dma_start3A_418] : memref<1000000x64xf32, #tpu.memory_space<hbm>> -> memref<1000000x64xf32, #tpu.memory_space<hbm>>
        %dma_start3A_420 = tpu.memref_slice %arg7[%dma_start3A_411] : memref<5x!tpu.dma_semaphore, #tpu.memory_space<semaphore_mem>> -> memref<1x!tpu.dma_semaphore, #tpu.memory_space<semaphore_mem>>
        %dma_start3A_421 = tpu.memref_squeeze %dma_start3A_420 : memref<1x!tpu.dma_semaphore, #tpu.memory_space<semaphore_mem>> -> memref<!tpu.dma_semaphore, #tpu.memory_space<semaphore_mem>>
        tpu.enqueue_indirect_dma source(%dma_start3A_419 : memref<1000000x64xf32, #tpu.memory_space<hbm>>) target(%dma_start3A_415 : memref<128x64xf32, #tpu.memory_space<vmem>>) offsets(%dma_start3A_416 : memref<128xi32, #tpu.memory_space<vmem>>) semaphore(%dma_start3A_421 : memref<!tpu.dma_semaphore, #tpu.memory_space<semaphore_mem>>)
      } else {
      }
    }
    %scan3A_83 = arith.constant 10 : i32
    return
  }
}

</mosaic_0001>

<sc_bundles>
// kernel: kernel.4.cloned.1.call-start
scs
__scs_entry_jumppad:
0x0: {  	(pc) =	sbr.rel $0x88, $3  }
0x1: {  	(tag) =	ssettag $0x0;
	lr =	simm.s32 $0x1  }
0x2: {  	[smem:$0x3F9F] =	sst lr;
	_ =	strace $0xD0000000  }
0x3: {  	_ = 	snop  }
0x4: {  	_ = 	snop  }
0x5: {  	_ = 	snop  }
0x6: {  	_ = 	snop  }
0x7: {  	_ = 	snop  }
__scs_overlays_trampoline_lowered:
0x8: {  	[smem:$0x3FAE] =	sst s0  }
0x9: {  	[smem:$0x3FAF] =	sst s1  }
0xa: {  	[smem:$0x3FB0] =	sst s2  }
0xb: {  	[smem:$0x3FB1] =	sst s3  }
0xc: {  	[smem:$0x3FB2] =	sst s4  }
0xd: {  	[smem:$0x3FB3] =	sst s5  }
0xe: {  	[smem:$0x3FB4] =	sst s6  }
0xf: {  	[smem:$0x3FB5] =	sst s7  }
0x10: {  	[smem:$0x3FB6] =	sst s8  }
0x11: {  	[smem:$0x3FB7] =	sst s9;
	s0 =	simm.s32 @!p0 $0x0  }
0x12: {  	s1 =	sld [smem:$0x3F9D];
	s0 =	simm.s32 @p0 $0x1  }
0x13: {  	[smem:$0x3FB8] =	sst s0;
	s0 =	simm.s32 @!p1 $0x0  }
0x14: {  	s2 =	sld [smem:$0x3F9C];
	s0 =	simm.s32 @p1 $0x1  }
0x15: {  	[smem:$0x3FB9] =	sst s0;
	s0 =	simm.s32 @!p2 $0x0  }
0x16: {  	s3 =	sld [smem:$0x3FDB];
	s0 =	simm.s32 @p2 $0x1  }
0x17: {  	s4 =	simm.s32 $0x1BF5;
	[smem:$0x3FBB] =	sst s0  }
0x18: {  	s0 =	sld [smem:$0x3F9E];
	_ =	swait.ge [sflag:s4], $0x0  }
0x19: {  	s7 =	sld [smem:$0x3F9F]  }
0x1a: {  	s8 =	sadd.s32 $0xFFFFE003, lr  }
0x1b: {  	s9 =	sadd.s32 $0xFFFFFEF7, lr;
	s5 =	simm.s32 $0xFFFFFFFF;
	p2 =	slt.u32 s8, $0xFFFFF086  }
0x1c: {  	p1 =	slt.u32 s9, $0xF7A;
	s5 =	simm.s32 @!p2 $0x0  }
0x1d: {  	s5 =	simm.s32 @p1 $0x1;
	p0 =	seq.s32 s7, s2  }
0x1e: {  	s7 =	smul.u32 @!p0 $0xF7A, s2;
	p2 =	seq.s32 @!p0 s5, $0x0  }
0x1f: {  	s9 =	smul.u32 $0xF7A, s1;
	s8 =	simm.s32 @!p0 $0x1BF5;
	p2 =	por !p2, p0  }
0x20: {  	[sflag:s8] =	ssyncset.s32 @!p0 $0xFFFFF086;
	s6 =	sadd.s32 @!p0 s3, s7;
	s7 =	simm.s32 @!p0 $0x108  }
0x21: {  	s3 =	sadd.s32 s3, s9;
	s6 =	sadd.s32 @!p0 $0x88, s6;
	s7 =	simm.s32 @p2 $0x1082  }
0x22: {  	[simem:s7], [sflag:s8] =	dma.local @!p0 [hbm:s6], $0xF7A  }
0x23: {  	s9 =	sor.u32 $0xD0000000, s2;
	s6 =	simm.s32 $0x108;
	_ =	swait.ge @!p0 [sflag:s8], $0x0  }
0x24: {  	s3 =	sadd.s32 $0x88, s3;
	s6 =	simm.s32 @!p1 $0x1082;
	[sflag:s4] =	ssyncset.s32 $0xFFFFF086  }
0x25: {  	[simem:s6], [sflag:s4] =	dma.local [hbm:s3], $0xF7A  }
0x26: {  	[smem:$0x3F9F] =	sst s1;
	(tag) =	ssettag s2;
	_ =	strace s9  }
0x27: {  	s1 =	sld [smem:$0x3FAF]  }
0x28: {  	s2 =	sld [smem:$0x3FB0]  }
0x29: {  	s4 =	sld [smem:$0x3FB2]  }
0x2a: {  	p0 =	seq.s32 s5, $0x0;
	s5 =	sld [smem:$0x3FB3]  }
0x2b: {  	s6 =	sld [smem:$0x3FB4]  }
0x2c: {  	s7 =	sld [smem:$0x3FB5]  }
0x2d: {  	s3 =	simm.s32 $0x108;
	s8 =	sld [smem:$0x3FB6]  }
0x2e: {  	s3 =	simm.s32 @!p0 $0x1082;
	s9 =	sld [smem:$0x3FB7]  }
0x2f: {  	lr =	sadd.s32 s0, s3;
	s0 =	sld [smem:$0x3FAE]  }
0x30: {  	s3 =	sld [smem:$0x3FB1]  }
0x31: {  	[smem:$0x3FBA] =	sst s10  }
0x32: {  	s10 =	sld [smem:$0x3FB8];
	_ =	sdelay $0x3  }
0x33: {  	p0 =	seq.s32 s10, $0x1;
	s10 =	sld [smem:$0x3FBA];
	_ =	sdelay $0x3  }
0x34: {  	[smem:$0x3FBA] =	sst s10  }
0x35: {  	s10 =	sld [smem:$0x3FB9];
	_ =	sdelay $0x3  }
0x36: {  	p1 =	seq.s32 s10, $0x1;
	s10 =	sld [smem:$0x3FBA];
	_ =	sdelay $0x3  }
0x37: {  	[smem:$0x3FBA] =	sst s10  }
0x38: {  	s10 =	sld [smem:$0x3FBB]  }
0x39: {  	_ = 	snop;
	(pc) =	sbr.ind lr, $3  }
0x3a: {  	_ = 	snop  }
0x3b: {  	_ = 	snop  }
0x3c: {  	p2 =	seq.s32 s10, $0x1;
	s10 =	sld [smem:$0x3FBA]  }
0x3d: {  	_ =	shalt  }
0x3e: {  	_ =	shalt  }
0x3f: {  	_ =	shalt  }
0x40: {  	_ =	shalt  }
0x41: {  	_ =	shalt  }
0x42: {  	_ =	shalt  }
0x43: {  	_ =	shalt  }
0x44: {  	_ =	shalt  }
0x45: {  	_ =	shalt  }
0x46: {  	_ =	shalt  }
0x47: {  	_ =	shalt  }
0x48: {  	_ =	shalt  }
0x49: {  	_ =	shalt  }
0x4a: {  	_ =	shalt  }
0x4b: {  	_ =	shalt  }
0x4c: {  	_ =	shalt  }
0x4d: {  	_ =	shalt  }
0x4e: {  	_ =	shalt  }
0x4f: {  	_ =	shalt  }
0x50: {  	_ =	shalt  }
0x51: {  	_ =	shalt  }
0x52: {  	_ =	shalt  }
0x53: {  	_ =	shalt  }
0x54: {  	_ =	shalt  }
0x55: {  	_ =	shalt  }
0x56: {  	_ =	shalt  }
0x57: {  	_ =	shalt  }
0x58: {  	_ =	shalt  }
0x59: {  	_ =	shalt  }
0x5a: {  	_ =	shalt  }
0x5b: {  	_ =	shalt  }
0x5c: {  	_ =	shalt  }
0x5d: {  	_ =	shalt  }
0x5e: {  	_ =	shalt  }
0x5f: {  	_ =	shalt  }
0x60: {  	_ =	shalt  }
0x61: {  	_ =	shalt  }
0x62: {  	_ =	shalt  }
0x63: {  	_ =	shalt  }
0x64: {  	_ =	shalt  }
0x65: {  	_ =	shalt  }
0x66: {  	_ =	shalt  }
0x67: {  	_ =	shalt  }
0x68: {  	_ =	shalt  }
0x69: {  	_ =	shalt  }
0x6a: {  	_ =	shalt  }
0x6b: {  	_ =	shalt  }
0x6c: {  	_ =	shalt  }
0x6d: {  	_ =	shalt  }
0x6e: {  	_ =	shalt  }
0x6f: {  	_ =	shalt  }
0x70: {  	_ =	shalt  }
0x71: {  	_ =	shalt  }
0x72: {  	_ =	shalt  }
0x73: {  	_ =	shalt  }
0x74: {  	_ =	shalt  }
0x75: {  	_ =	shalt  }
0x76: {  	_ =	shalt  }
0x77: {  	_ =	shalt  }
0x78: {  	_ =	shalt  }
0x79: {  	_ =	shalt  }
0x7a: {  	_ =	shalt  }
0x7b: {  	_ =	shalt  }
0x7c: {  	_ =	shalt  }
0x7d: {  	_ =	shalt  }
0x7e: {  	_ =	shalt  }
0x7f: {  	_ =	shalt  }
0x80: {  	_ =	shalt  }
0x81: {  	_ =	shalt  }
0x82: {  	_ =	shalt  }
0x83: {  	_ =	shalt  }
0x84: {  	_ =	shalt  }
0x85: {  	_ =	shalt  }
0x86: {  	_ =	shalt  }
0x87: {  	_ =	shalt  }
.Lfunc_end0:
.L_simem_size_0:
called_computation.1_lowered:
.L_overlay_start_0:
0x88: {  	s2 =	sld [smem:$0x3FD9]  }
0x89: {  	s3 =	sld [smem:$0x3FFE];
	_ =	sdelay $0x1  }
0x8a: {  	s1 =	srdreg.scid  }
0x8b: {  	s0 =	sand.u32 $0x1, s1  }
0x8c: {  	s17 =	sshll.u32 s0, $0xA;
	s2 =	sadd.s32 s3, s2  }
0x8d: {  	s2 =	sadd.s32 s2, s17  }
0x8e: {  	[smem:$0x3FC6] =	sst s2  }
0x8f: {  	_ = 	snop  }
0x90: {  	s2 =	sld [smem:$0x3FC9];
	(tm) =	ssettm $0x1  }
0x91: {  	s18 =	sld [smem:$0x3FFB];
	_ =	sdelay $0x3  }
0x92: {  	_ =	strace s18  }
0x93: {  	s3 =	sld [smem:$0x3FFC];
	_ =	sdelay $0x3  }
0x94: {  	_ =	strace s3  }
0x95: {  	s3 =	sld [smem:$0x3FFD];
	_ =	sdelay $0x3  }
0x96: {  	_ =	strace s3  }
0x97: {  	_ =	strace $0x8FFFFFFF  }
0x98: {  	s19 =	sld [smem:$0x3FDB];
	_ =	sdelay $0x1  }
0x99: {  	s4 =	simm.s32 $_scs_section_size  }
0x9a: {  	s5 =	simm.s32 $_size__tile_overlayer_lowered;
	s6 =	simm.s32 $_tile_overlayer_lowered  }
0x9b: {  	s22 =	simm.s32 $0x1BFF;
	s21 =	sshll.u32 s6, $0x1;
	s3 =	sadd.s32 s4, s19  }
0x9c: {  	s7 =	simm.s32 $0x0;
	s20 =	sshll.u32 s5, $0x1;
	s5 =	sadd.s32 s21, s3  }
0x9d: {  	[timem:s7], [sflag:s22] =	dma.local [hbm:s5], s20  }
0x9e: {  	_ =	swait.ge [sflag:s22], s20  }
0x9f: {  	s4 =	ssub.s32 $0x0, s20;
	[sflag:s22] =	ssyncset.done $0x0  }
0xa0: {  	[sflag:s22] =	ssyncadd.s32 s4;
	_ =	sdelay $0x1  }
0xa1: {  	s23 =	simm.s32 $0x1B8B  }
0xa2: {  	_ =	swait.ge [sflag:s23], $0x1  }
0xa3: {  	[sflag:s23] =	ssyncset.done $0x0  }
0xa4: {  	s25 =	simm.s32 $0x1B8E;
	s24 =	sld [smem:$0x3FFE];
	[sflag:s23] =	ssyncadd.s32 $0xFFFFFFFF  }
0xa5: {  	s26 =	simm.s32 $execute0_lowered;
	[smem:$0x3FD2] =	sst s25  }
0xa6: {  	s5 =	sshll.u32 s26, $0x1;
	_ =	strace $0x80000046;
	[dreg:$0x1] =	wrdreg $0xFFFFFFFF  }
0xa7: {  	s28 =	simm.s32 $_size_execute0_lowered;
	s3 =	sadd.s32 s3, s5;
	[dreg:$0x0] =	wrdreg $0x0  }
0xa8: {  	s5 =	sshll.u32 s28, $0x1;
	[dreg:$0x2] =	wrdreg s3  }
0xa9: {  	[dreg:$0x3] =	wrdreg s5  }
0xaa: {  	[dreg:$0x4] =	wrdreg $0xC0  }
0xab: {  	_ =	task [dreg:s7], $0x5FFFF  }
0xac: {  	[dreg:$0x1] =	wrdreg $0xFFFFFFFF  }
0xad: {  	[dreg:$0x0] =	wrdreg $0x60  }
0xae: {  	[dreg:$0x2] =	wrdreg s2  }
0xaf: {  	[dreg:$0x3] =	wrdreg s24  }
0xb0: {  	[dreg:$0x4] =	wrdreg $0x9  }
0xb1: {  	_ =	task.clear_ibuf [dreg:s7], $0x5FFFF;
	_ =	strace $0x90000046  }
0xb2: {  	s29 =	simm.s32 $0x9;
	_ =	strace $0x80000048  }
0xb3: {  	_ =	swait.ge [sflag:s29], $0x1  }
0xb4: {  	[sflag:s29] =	ssyncadd.s32 $0xFFFFFFFF  }
0xb5: {  	_ =	strace $0x90000048  }
0xb6: {  	_ =	sfence  }
0xb7: {  	s30 =	sld [smem:$0x0];
	_ =	sdelay $0x2  }
0xb8: {  	s31 =	sshll.u32 s1, $0xD;
	s1 =	sshrl.u32 s1, $0x2  }
0xb9: {  	s3 =	sand.u32 $0x4000, s31;
	s1 =	sadd.s32 s1, s30  }
0xba: {  	s0 =	sor.u32 s3, s0;
	s1 =	sshll.u32 s1, $0x11  }
0xbb: {  	s0 =	sor.u32 s1, s0  }
0xbc: {  	s0 =	sadd.s32 $0x8F2B, s0  }
0xbd: {  	[sflag:s0] =	ssyncadd.remote.s32 $0x1  }
0xbe: {  	_ =	sfence.sel $0xFFFF  }
0xbf: {  	[dreg:$0x0] =	wrdreg $0xFFFFFFFF;
	(pc) =	sbr.abs _section_cstart, $3  }
0xc0: {  	[dreg:$0x1] =	wrdreg $0xFFFFFFFF  }
0xc1: {  	_ =	task.clear_ibuf [dreg:s7], $0x2FFFF;
	_ =	strace $0x9FFFFFFF  }
0xc2: {  	(tm) =	ssettm $0x7FFFFFFF  }
0xc3: {  	_ =	shalt  }
tec
execute0_lowered:
.L_overlay_start_1:
0x0: {  	(tag) =	ssettag $0x1  }
0x1: {  	s2 =	rddreg [dreg:$0x0];
	s0 =	srdreg.scid  }
0x2: {  	s4 =	rddreg [dreg:$0x1];
	s1 =	stileid.u32;
	s3 =	simm.s32 $0x0  }
0x3: {  	s5 =	sand.u32 $0x1, s0;
	s0 =	rddreg [dreg:$0x2];
	s7 =	smul.u32 $0x3200, s1  }
0x4: {  	[smem:$0x7FF] =	sst s3;
	s30 =	smul.u32 $0x64, s1;
	s6 =	ssub.s32 $0x2, s5  }
0x5: {  	s4 =	sadd.s32 $0xE00, s4;
	s9 =	smul.u32 $0x1900, s5;
	s8 =	sshrl.u32 s6, $0x1  }
0x6: {  	s31 =	sshll.u32 s1, $0x6;
	s10 =	smul.u32 $0x32, s5;
	s6 =	ssub.s32 s6, s8  }
0x7: {  	_ =	strace $0x80000047;
	s8 =	sor.u32 $0x1C01, s31;
	s5 =	smax.u32 s6, $0x1  }
0x8: {  	s6 =	sadd.s32 s9, s7;
	s7 =	sadd.s32 s10, s30;
	s9 =	simm.s32 $0x1  }
.LBB2_1:
0x9: {  	s12 =	sadd.s32 $0x0, s7;
	s11 =	simm.s32 $0x1;
	s10 =	smov.u32 s6  }
.LBB2_2:
0xa: {  	p0 =	sne.s32 s11, $0x31  }
0xb: {  	s13 =	sshll.u32 s12, $0x7;
	s14 =	sand.u32 $0x380, s10;
	s15 =	sshll.u32 s12, $0x4  }
0xc: {  	s12 =	sshll.u32 s12, $0x1;
	s13 =	sand.u32 $0xFFFFFC00, s13;
	s15 =	sand.u32 $0xFFFFC00, s15  }
.Ltmp0:
0xd: {  	s12 =	sand.u32 $0x70, s12;
	s13 =	sor.u32 s14, s13;
	(pc) =	sbr.rel @p0 .LBB2_2-.Ltmp0, $4  }
0xe: {  	s12 =	sor.u32 s12, s15;
	s14 =	sadd.s32 s2, s14;
	s13 =	sshrl.u32 s13, $0x3  }
0xf: {  	s12 =	sadd.s32 s12, s14;
	s13 =	sadd.s32 s4, s13  }
0x10: {  	[hbm:s13], [sflag:s8] =	dma.local [hbm:s12], $0x10  }
0x11: {  	s10 =	sadd.s32 $0x80, s10;
	s12 =	sadd.s32 s11, s7;
	s11 =	sadd.s32 $0x1, s11  }
0x12: {  	s11 =	sshll.u32 s12, $0x7;
	s10 =	sand.u32 $0x380, s10  }
0x13: {  	s13 =	sshll.u32 s12, $0x4;
	s31 =	sshll.u32 s12, $0x1;
	s11 =	sand.u32 $0xFFFFFC00, s11  }
0x14: {  	s13 =	sand.u32 $0xFFFFC00, s13;
	s12 =	sand.u32 $0x70, s31;
	s11 =	sor.u32 s10, s11  }
0x15: {  	s12 =	sor.u32 s12, s13;
	s10 =	sadd.s32 s2, s10;
	s11 =	sshrl.u32 s11, $0x3  }
0x16: {  	s10 =	sadd.s32 s12, s10;
	s11 =	sadd.s32 s4, s11  }
0x17: {  	[hbm:s11], [sflag:s8] =	dma.local [hbm:s10], $0x10  }
0x18: {  	_ =	swait.ge [sflag:s9], $0x10  }
0x19: {  	s10 =	simm.s32 $0x31;
	[sflag:s9] =	ssyncset.done $0x0  }
.LBB2_4:
0x1a: {  	p0 =	sne.s32 s10, $0x1;
	s10 =	sadd.s32 $0xFFFFFFFF, s10;
	[sflag:s9] =	ssyncadd.s32 $0xFFFFFFF0  }
.Ltmp1:
0x1b: {  	(pc) =	sbr.rel @p0 .LBB2_4-.Ltmp1, $3  }
0x1c: {  	_ =	sdelay $0x1  }
0x1d: {  	_ =	swait.ge [sflag:s9], $0x10  }
0x1e: {  	[sflag:s9] =	ssyncset.done $0x0  }
0x1f: {  	s3 =	sadd.s32 $0x1, s3  }
0x20: {  	p0 =	sne.s32 s3, s5  }
.Ltmp2:
0x21: {  	_ = 	snop;
	(pc) =	sbr.rel @p0 .LBB2_1-.Ltmp2, $2  }
0x22: {  	_ =	sdelay $0x2  }
0x23: {  	[sflag:s9] =	ssyncadd.s32 $0xFFFFFFF0  }
0x24: {  	_ =	sfence.sel $0x180000  }
0x25: {  	[bflag:$0x0] =	sbarrier.arrive $0xFFFF  }
0x26: {  	p0 =	sne.s32 s1, $0x0;
	_ =	strace $0x90000047  }
0x27: {  	s0 =	sadd.s32 @!p0 $0x100000, s0;
	[bflag:$0x2] =	sbarrier.arrive $0xFFFF  }
0x28: {  	[sflag:s0] =	ssyncadd.tile.s32 @!p0 $0x1;
	_ =	shalt  }
.Lfunc_end2:
_tile_overlayer_lowered:
.L_overlay_start_2:
0x29: {  	(tag) =	ssettag $0x2  }
0x2a: {  	s0 =	rddreg [dreg:$0x0];
	s2 =	stileid.u32  }
0x2b: {  	s1 =	rddreg [dreg:$0x1];
	p0 =	sne.s32 s2, $0x0  }
0x2c: {  	s3 =	rddreg [dreg:$0x2];
	[bflag:$0x3] =	sbarrier.arrive $0xFFFF;
	s2 =	simm.s32 @!p0 $0x1C02  }
0x2d: {  	[timem:s3], [sflag:s2] =	dma.local @!p0 [hbm:s0], s1  }
0x2e: {  	s0 =	simm.s32 @!p0 $0x2  }
0x2f: {  	_ =	swait.ge @!p0 [sflag:s0], s1  }
0x30: {  	s1 =	ssub.s32 @!p0 $0x0, s1;
	[sflag:s0] =	ssyncset.done @!p0 $0x0  }
0x31: {  	[sflag:s0] =	ssyncadd.s32 @!p0 s1  }
0x32: {  	[bflag:$0x3] =	sbarrier.arrive $0xFFFF  }
0x33: {  	_ =	shalt  }

// kernel: kernel.7.cloned.1.call-start
scs
__scs_entry_jumppad:
0x0: {  	(pc) =	sbr.rel $0x88, $3  }
0x1: {  	(tag) =	ssettag $0x0;
	lr =	simm.s32 $0x1  }
0x2: {  	[smem:$0x3F9F] =	sst lr;
	_ =	strace $0xD0000000  }
0x3: {  	_ = 	snop  }
0x4: {  	_ = 	snop  }
0x5: {  	_ = 	snop  }
0x6: {  	_ = 	snop  }
0x7: {  	_ = 	snop  }
__scs_overlays_trampoline_lowered:
0x8: {  	[smem:$0x3FAE] =	sst s0  }
0x9: {  	[smem:$0x3FAF] =	sst s1  }
0xa: {  	[smem:$0x3FB0] =	sst s2  }
0xb: {  	[smem:$0x3FB1] =	sst s3  }
0xc: {  	[smem:$0x3FB2] =	sst s4  }
0xd: {  	[smem:$0x3FB3] =	sst s5  }
0xe: {  	[smem:$0x3FB4] =	sst s6  }
0xf: {  	[smem:$0x3FB5] =	sst s7  }
0x10: {  	[smem:$0x3FB6] =	sst s8  }
0x11: {  	[smem:$0x3FB7] =	sst s9;
	s0 =	simm.s32 @!p0 $0x0  }
0x12: {  	s1 =	sld [smem:$0x3F9D];
	s0 =	simm.s32 @p0 $0x1  }
0x13: {  	[smem:$0x3FB8] =	sst s0;
	s0 =	simm.s32 @!p1 $0x0  }
0x14: {  	s2 =	sld [smem:$0x3F9C];
	s0 =	simm.s32 @p1 $0x1  }
0x15: {  	[smem:$0x3FB9] =	sst s0;
	s0 =	simm.s32 @!p2 $0x0  }
0x16: {  	s3 =	sld [smem:$0x3FDB];
	s0 =	simm.s32 @p2 $0x1  }
0x17: {  	s4 =	simm.s32 $0x1BF5;
	[smem:$0x3FBB] =	sst s0  }
0x18: {  	s0 =	sld [smem:$0x3F9E];
	_ =	swait.ge [sflag:s4], $0x0  }
0x19: {  	s7 =	sld [smem:$0x3F9F]  }
0x1a: {  	s8 =	sadd.s32 $0xFFFFE003, lr  }
0x1b: {  	s9 =	sadd.s32 $0xFFFFFEF7, lr;
	s5 =	simm.s32 $0xFFFFFFFF;
	p2 =	slt.u32 s8, $0xFFFFF086  }
0x1c: {  	p1 =	slt.u32 s9, $0xF7A;
	s5 =	simm.s32 @!p2 $0x0  }
0x1d: {  	s5 =	simm.s32 @p1 $0x1;
	p0 =	seq.s32 s7, s2  }
0x1e: {  	s7 =	smul.u32 @!p0 $0xF7A, s2;
	p2 =	seq.s32 @!p0 s5, $0x0  }
0x1f: {  	s9 =	smul.u32 $0xF7A, s1;
	s8 =	simm.s32 @!p0 $0x1BF5;
	p2 =	por !p2, p0  }
0x20: {  	[sflag:s8] =	ssyncset.s32 @!p0 $0xFFFFF086;
	s6 =	sadd.s32 @!p0 s3, s7;
	s7 =	simm.s32 @!p0 $0x108  }
0x21: {  	s3 =	sadd.s32 s3, s9;
	s6 =	sadd.s32 @!p0 $0x88, s6;
	s7 =	simm.s32 @p2 $0x1082  }
0x22: {  	[simem:s7], [sflag:s8] =	dma.local @!p0 [hbm:s6], $0xF7A  }
0x23: {  	s9 =	sor.u32 $0xD0000000, s2;
	s6 =	simm.s32 $0x108;
	_ =	swait.ge @!p0 [sflag:s8], $0x0  }
0x24: {  	s3 =	sadd.s32 $0x88, s3;
	s6 =	simm.s32 @!p1 $0x1082;
	[sflag:s4] =	ssyncset.s32 $0xFFFFF086  }
0x25: {  	[simem:s6], [sflag:s4] =	dma.local [hbm:s3], $0xF7A  }
0x26: {  	[smem:$0x3F9F] =	sst s1;
	(tag) =	ssettag s2;
	_ =	strace s9  }
0x27: {  	s1 =	sld [smem:$0x3FAF]  }
0x28: {  	s2 =	sld [smem:$0x3FB0]  }
0x29: {  	s4 =	sld [smem:$0x3FB2]  }
0x2a: {  	p0 =	seq.s32 s5, $0x0;
	s5 =	sld [smem:$0x3FB3]  }
0x2b: {  	s6 =	sld [smem:$0x3FB4]  }
0x2c: {  	s7 =	sld [smem:$0x3FB5]  }
0x2d: {  	s3 =	simm.s32 $0x108;
	s8 =	sld [smem:$0x3FB6]  }
0x2e: {  	s3 =	simm.s32 @!p0 $0x1082;
	s9 =	sld [smem:$0x3FB7]  }
0x2f: {  	lr =	sadd.s32 s0, s3;
	s0 =	sld [smem:$0x3FAE]  }
0x30: {  	s3 =	sld [smem:$0x3FB1]  }
0x31: {  	[smem:$0x3FBA] =	sst s10  }
0x32: {  	s10 =	sld [smem:$0x3FB8];
	_ =	sdelay $0x3  }
0x33: {  	p0 =	seq.s32 s10, $0x1;
	s10 =	sld [smem:$0x3FBA];
	_ =	sdelay $0x3  }
0x34: {  	[smem:$0x3FBA] =	sst s10  }
0x35: {  	s10 =	sld [smem:$0x3FB9];
	_ =	sdelay $0x3  }
0x36: {  	p1 =	seq.s32 s10, $0x1;
	s10 =	sld [smem:$0x3FBA];
	_ =	sdelay $0x3  }
0x37: {  	[smem:$0x3FBA] =	sst s10  }
0x38: {  	s10 =	sld [smem:$0x3FBB]  }
0x39: {  	_ = 	snop;
	(pc) =	sbr.ind lr, $3  }
0x3a: {  	_ = 	snop  }
0x3b: {  	_ = 	snop  }
0x3c: {  	p2 =	seq.s32 s10, $0x1;
	s10 =	sld [smem:$0x3FBA]  }
0x3d: {  	_ =	shalt  }
0x3e: {  	_ =	shalt  }
0x3f: {  	_ =	shalt  }
0x40: {  	_ =	shalt  }
0x41: {  	_ =	shalt  }
0x42: {  	_ =	shalt  }
0x43: {  	_ =	shalt  }
0x44: {  	_ =	shalt  }
0x45: {  	_ =	shalt  }
0x46: {  	_ =	shalt  }
0x47: {  	_ =	shalt  }
0x48: {  	_ =	shalt  }
0x49: {  	_ =	shalt  }
0x4a: {  	_ =	shalt  }
0x4b: {  	_ =	shalt  }
0x4c: {  	_ =	shalt  }
0x4d: {  	_ =	shalt  }
0x4e: {  	_ =	shalt  }
0x4f: {  	_ =	shalt  }
0x50: {  	_ =	shalt  }
0x51: {  	_ =	shalt  }
0x52: {  	_ =	shalt  }
0x53: {  	_ =	shalt  }
0x54: {  	_ =	shalt  }
0x55: {  	_ =	shalt  }
0x56: {  	_ =	shalt  }
0x57: {  	_ =	shalt  }
0x58: {  	_ =	shalt  }
0x59: {  	_ =	shalt  }
0x5a: {  	_ =	shalt  }
0x5b: {  	_ =	shalt  }
0x5c: {  	_ =	shalt  }
0x5d: {  	_ =	shalt  }
0x5e: {  	_ =	shalt  }
0x5f: {  	_ =	shalt  }
0x60: {  	_ =	shalt  }
0x61: {  	_ =	shalt  }
0x62: {  	_ =	shalt  }
0x63: {  	_ =	shalt  }
0x64: {  	_ =	shalt  }
0x65: {  	_ =	shalt  }
0x66: {  	_ =	shalt  }
0x67: {  	_ =	shalt  }
0x68: {  	_ =	shalt  }
0x69: {  	_ =	shalt  }
0x6a: {  	_ =	shalt  }
0x6b: {  	_ =	shalt  }
0x6c: {  	_ =	shalt  }
0x6d: {  	_ =	shalt  }
0x6e: {  	_ =	shalt  }
0x6f: {  	_ =	shalt  }
0x70: {  	_ =	shalt  }
0x71: {  	_ =	shalt  }
0x72: {  	_ =	shalt  }
0x73: {  	_ =	shalt  }
0x74: {  	_ =	shalt  }
0x75: {  	_ =	shalt  }
0x76: {  	_ =	shalt  }
0x77: {  	_ =	shalt  }
0x78: {  	_ =	shalt  }
0x79: {  	_ =	shalt  }
0x7a: {  	_ =	shalt  }
0x7b: {  	_ =	shalt  }
0x7c: {  	_ =	shalt  }
0x7d: {  	_ =	shalt  }
0x7e: {  	_ =	shalt  }
0x7f: {  	_ =	shalt  }
0x80: {  	_ =	shalt  }
0x81: {  	_ =	shalt  }
0x82: {  	_ =	shalt  }
0x83: {  	_ =	shalt  }
0x84: {  	_ =	shalt  }
0x85: {  	_ =	shalt  }
0x86: {  	_ =	shalt  }
0x87: {  	_ =	shalt  }
.Lfunc_end0:
.L_simem_size_0:
called_computation.2_lowered:
.L_overlay_start_0:
0x88: {  	s2 =	sld [smem:$0x3FD9]  }
0x89: {  	s3 =	sld [smem:$0x3FFE];
	_ =	sdelay $0x1  }
0x8a: {  	s1 =	srdreg.scid  }
0x8b: {  	s0 =	sand.u32 $0x1, s1  }
0x8c: {  	s17 =	sshll.u32 s0, $0xA;
	s2 =	sadd.s32 s3, s2  }
0x8d: {  	s2 =	sadd.s32 s2, s17  }
0x8e: {  	[smem:$0x3FC6] =	sst s2  }
0x8f: {  	_ = 	snop  }
0x90: {  	s2 =	sld [smem:$0x3FD0];
	(tm) =	ssettm $0x1  }
0x91: {  	s18 =	sld [smem:$0x3FFB];
	_ =	sdelay $0x3  }
0x92: {  	_ =	strace s18  }
0x93: {  	s3 =	sld [smem:$0x3FFC];
	_ =	sdelay $0x3  }
0x94: {  	_ =	strace s3  }
0x95: {  	s3 =	sld [smem:$0x3FFD];
	_ =	sdelay $0x3  }
0x96: {  	_ =	strace s3  }
0x97: {  	_ =	strace $0x8FFFFFFF  }
0x98: {  	s19 =	sld [smem:$0x3FDB];
	_ =	sdelay $0x1  }
0x99: {  	s4 =	simm.s32 $_scs_section_size  }
0x9a: {  	s5 =	simm.s32 $_size__tile_overlayer_lowered;
	s6 =	simm.s32 $_tile_overlayer_lowered  }
0x9b: {  	s22 =	simm.s32 $0x1BFF;
	s21 =	sshll.u32 s6, $0x1;
	s3 =	sadd.s32 s4, s19  }
0x9c: {  	s7 =	simm.s32 $0x0;
	s20 =	sshll.u32 s5, $0x1;
	s5 =	sadd.s32 s21, s3  }
0x9d: {  	[timem:s7], [sflag:s22] =	dma.local [hbm:s5], s20  }
0x9e: {  	_ =	swait.ge [sflag:s22], s20  }
0x9f: {  	s4 =	ssub.s32 $0x0, s20;
	[sflag:s22] =	ssyncset.done $0x0  }
0xa0: {  	[sflag:s22] =	ssyncadd.s32 s4;
	_ =	sdelay $0x1  }
0xa1: {  	s23 =	simm.s32 $0x1B8B  }
0xa2: {  	_ =	swait.ge [sflag:s23], $0x1  }
0xa3: {  	[sflag:s23] =	ssyncset.done $0x0  }
0xa4: {  	s25 =	simm.s32 $0x1B8E;
	s24 =	sld [smem:$0x3FFE];
	[sflag:s23] =	ssyncadd.s32 $0xFFFFFFFF  }
0xa5: {  	s26 =	simm.s32 $execute0_lowered;
	[smem:$0x3FD2] =	sst s25  }
0xa6: {  	s5 =	sshll.u32 s26, $0x1;
	_ =	strace $0x80000049;
	[dreg:$0x1] =	wrdreg $0xFFFFFFFF  }
0xa7: {  	s28 =	simm.s32 $_size_execute0_lowered;
	s3 =	sadd.s32 s3, s5;
	[dreg:$0x0] =	wrdreg $0x0  }
0xa8: {  	s5 =	sshll.u32 s28, $0x1;
	[dreg:$0x2] =	wrdreg s3  }
0xa9: {  	[dreg:$0x3] =	wrdreg s5  }
0xaa: {  	[dreg:$0x4] =	wrdreg $0xC0  }
0xab: {  	_ =	task [dreg:s7], $0x5FFFF  }
0xac: {  	[dreg:$0x1] =	wrdreg $0xFFFFFFFF  }
0xad: {  	[dreg:$0x0] =	wrdreg $0x60  }
0xae: {  	[dreg:$0x2] =	wrdreg s24  }
0xaf: {  	[dreg:$0x3] =	wrdreg s2  }
0xb0: {  	[dreg:$0x4] =	wrdreg $0x9  }
0xb1: {  	_ =	task.clear_ibuf [dreg:s7], $0x5FFFF;
	_ =	strace $0x90000049  }
0xb2: {  	s29 =	simm.s32 $0x9;
	_ =	strace $0x8000004B  }
0xb3: {  	_ =	swait.ge [sflag:s29], $0x1  }
0xb4: {  	[sflag:s29] =	ssyncadd.s32 $0xFFFFFFFF  }
0xb5: {  	_ =	strace $0x9000004B  }
0xb6: {  	_ =	sfence  }
0xb7: {  	s30 =	sld [smem:$0x0];
	_ =	sdelay $0x2  }
0xb8: {  	s31 =	sshll.u32 s1, $0xD;
	s1 =	sshrl.u32 s1, $0x2  }
0xb9: {  	s3 =	sand.u32 $0x4000, s31;
	s1 =	sadd.s32 s1, s30  }
0xba: {  	s0 =	sor.u32 s3, s0;
	s1 =	sshll.u32 s1, $0x11  }
0xbb: {  	s0 =	sor.u32 s1, s0  }
0xbc: {  	s0 =	sadd.s32 $0x8F2B, s0  }
0xbd: {  	[sflag:s0] =	ssyncadd.remote.s32 $0x1  }
0xbe: {  	_ =	sfence.sel $0xFFFF  }
0xbf: {  	[dreg:$0x0] =	wrdreg $0xFFFFFFFF;
	(pc) =	sbr.abs _section_cstart, $3  }
0xc0: {  	[dreg:$0x1] =	wrdreg $0xFFFFFFFF  }
0xc1: {  	_ =	task.clear_ibuf [dreg:s7], $0x2FFFF;
	_ =	strace $0x9FFFFFFF  }
0xc2: {  	(tm) =	ssettm $0x7FFFFFFF  }
0xc3: {  	_ =	shalt  }
tec
execute0_lowered:
.L_overlay_start_1:
0x0: {  	(tag) =	ssettag $0x1  }
0x1: {  	s0 =	srdreg.scid;
	s1 =	rddreg [dreg:$0x0]  }
0x2: {  	s9 =	stileid.u32;
	s6 =	rddreg [dreg:$0x1]  }
0x3: {  	s2 =	simm.s32 $0x0;
	s11 =	simm.s32 $0xB;
	s12 =	simm.s32 $0x80  }
0x4: {  	s13 =	simm.s32 $0x1900;
	s14 =	simm.s32 $0x3900;
	s16 =	simm.s32 $0x5900  }
0x5: {  	s18 =	simm.s32 $0x7900;
	s20 =	simm.s32 $0x9900;
	s21 =	simm.s32 $0x1  }
0x6: {  	s22 =	simm.s32 $0x2;
	s28 =	simm.s32 $0x7;
	s29 =	simm.s32 $0x8  }
0x7: {  	s30 =	simm.s32 $0x9;
	s0 =	sand.u32 $0x1, s0;
	s3 =	smul.u32 $0x3200, s9  }
0x8: {  	s31 =	simm.s32 $0xA;
	[smem:$0x7FF] =	sst s2;
	s4 =	smul.u32 $0x1900, s0  }
0x9: {  	s23 =	smul.u32 $0x19000, s9;
	s5 =	ssub.s32 $0x2, s0;
	_ =	strace $0x8000004A  }
0xa: {  	s0 =	smul.u32 $0xC800, s0;
	s8 =	sshrl.u32 s5, $0x1;
	s4 =	sadd.s32 s4, s3  }
0xb: {  	s3 =	sadd.s32 $0xF49600, s1;
	s5 =	ssub.s32 s5, s8;
	s7 =	sshrl.u32 s4, $0x3  }
0xc: {  	s5 =	smax.u32 s5, $0x1;
	s4 =	sshll.u32 s4, $0x3;
	s1 =	sadd.s32 s7, s1  }
0xd: {  	[dreg:$0x3] =	wrdreg s5;
	s24 =	sadd.s32 s4, s6;
	s6 =	sadd.s32 s23, s6  }
.Ltmp0:
0xe: {  	s23 =	simm.s32 $0x3;
	s5 =	sadd.s32 $0xE00, s1;
	(pc) =	sbr.rel .LBB2_1-.Ltmp0, $4  }
0xf: {  	s4 =	sadd.s32 $0x1000, s24;
	s25 =	sadd.s32 $0xC00, s24;
	s26 =	sadd.s32 $0x800, s24  }
0x10: {  	s17 =	sadd.s32 $0x400, s24;
	s15 =	sadd.s32 s0, s6;
	[dreg:$0x4] =	wrdreg s4  }
0x11: {  	s24 =	simm.s32 $0x4;
	s1 =	simm.s32 $0x0;
	[dreg:$0x5] =	wrdreg s25  }
0x12: {  	[dreg:$0x6] =	wrdreg s26;
	s25 =	simm.s32 $0x5;
	s26 =	simm.s32 $0x6  }
.LBB2_8:
0x13: {  	_ =	swait.ge [sflag:s28], $0x2000  }
0x14: {  	[sflag:s28] =	ssyncset.done $0x0  }
0x15: {  	[sflag:s28] =	ssyncadd.s32 $0xFFFFE000  }
0x16: {  	_ =	swait.ge [sflag:s29], $0x2000  }
0x17: {  	[sflag:s29] =	ssyncset.done $0x0  }
0x18: {  	[sflag:s29] =	ssyncadd.s32 $0xFFFFE000  }
0x19: {  	_ =	swait.ge [sflag:s30], $0x2000  }
0x1a: {  	[sflag:s30] =	ssyncset.done $0x0  }
0x1b: {  	[sflag:s30] =	ssyncadd.s32 $0xFFFFE000  }
0x1c: {  	_ =	swait.ge [sflag:s31], $0x2000  }
0x1d: {  	s1 =	sadd.s32 $0x1, s1;
	s0 =	rddreg [dreg:$0x3]  }
0x1e: {  	p0 =	sne.s32 s1, s0  }
.Ltmp1:
0x1f: {  	_ = 	snop;
	(pc) =	sbr.rel @!p0 .LBB2_9-.Ltmp1, $3  }
0x20: {  	_ =	sdelay $0x1  }
0x21: {  	[sflag:s31] =	ssyncset.done $0x0  }
0x22: {  	[sflag:s31] =	ssyncadd.s32 $0xFFFFE000  }
.LBB2_1:
0x23: {  	s0 =	simm.s32 $0x0;
	s6 =	simm.s32 $0x0  }
.LBB2_2:
0x24: {  	p0 =	sne.s32 s6, $0x310  }
.Ltmp2:
0x25: {  	_ = 	snop;
	(pc) =	sbr.rel @p0 .LBB2_2-.Ltmp2, $4  }
0x26: {  	_ = 	snop  }
0x27: {  	s7 =	sadd.s32 s6, s5  }
0x28: {  	[tilespmem:s0], [sflag:$0xB] =	stream.linear.gather [hbm4b:s7+s2], $0x80, $0x38;
	[tilespmem:$0xB900] =	vst v63  }
0x29: {  	s6 =	sadd.s32 $0x10, s6;
	s0 =	sadd.s32 $0x80, s0  }
0x2a: {  	_ =	swait.ge [sflag:s11], $0x80  }
0x2b: {  	s0 =	simm.s32 $0x31;
	[sflag:s11] =	ssyncset.done $0x0  }
.LBB2_4:
0x2c: {  	p0 =	sne.s32 s0, $0x1;
	s0 =	sadd.s32 $0xFFFFFFFF, s0;
	[sflag:s11] =	ssyncadd.s32 $0xFFFFFF80  }
.Ltmp3:
0x2d: {  	(pc) =	sbr.rel @p0 .LBB2_4-.Ltmp3, $3  }
0x2e: {  	_ =	sdelay $0x1  }
0x2f: {  	_ =	swait.ge [sflag:s11], $0x80  }
0x30: {  	[sflag:s11] =	ssyncset.done $0x0  }
0x31: {  	[sflag:s11] =	ssyncadd.s32 $0xFFFFFF80;
	s0 =	simm.s32 $0x0  }
0x32: {  	[tilespmem:s13], [sflag:$0x1] =	stream.indirect.gather [hbm4b:s3+s12], $0x40, s0, s12, $0xb8;
	[tilespmem:$0xB900] =	vst v63  }
0x33: {  	_ = 	snop  }
0x34: {  	[tilespmem:s14], [sflag:$0x2] =	stream.indirect.gather [hbm4b:s3+s12], $0x40, s12, s12, $0xb8;
	[tilespmem:$0xB900] =	vst v63  }
0x35: {  	s4 =	simm.s32 $0x100;
	s8 =	rddreg [dreg:$0x6]  }
0x36: {  	[tilespmem:s16], [sflag:$0x3] =	stream.indirect.gather [hbm4b:s3+s12], $0x40, s4, s12, $0xb8;
	[tilespmem:$0xB900] =	vst v63  }
0x37: {  	s10 =	simm.s32 $0x180;
	s19 =	simm.s32 $0x200;
	s7 =	rddreg [dreg:$0x5]  }
0x38: {  	[tilespmem:s18], [sflag:$0x4] =	stream.indirect.gather [hbm4b:s3+s12], $0x40, s10, s12, $0xb8;
	[tilespmem:$0xB900] =	vst v63  }
0x39: {  	s9 =	smov.u32 s17;
	s6 =	rddreg [dreg:$0x4];
	s10 =	smov.u32 s15  }
0x3a: {  	[tilespmem:s20], [sflag:$0x5] =	stream.indirect.gather [hbm4b:s3+s12], $0x40, s19, s12, $0xb8;
	[tilespmem:$0xB900] =	vst v63  }
.LBB2_6:
0x3b: {  	_ =	swait.ge [sflag:s21], $0x2000  }
0x3c: {  	[sflag:s21] =	ssyncset.done $0x0  }
0x3d: {  	[sflag:s21] =	ssyncadd.s32 $0xFFFFE000  }
0x3e: {  	[hbm4b:s10+s2] =	stream.linear.scatter [tilespmem:s13], [sflag:$0x6], $0x2000, $0x38;
	[tilespmem:$0xB900] =	vst v63  }
0x3f: {  	_ =	swait.ge [sflag:s22], $0x2000  }
0x40: {  	[sflag:s22] =	ssyncset.done $0x0  }
0x41: {  	[sflag:s22] =	ssyncadd.s32 $0xFFFFE000  }
0x42: {  	[hbm4b:s9+s2] =	stream.linear.scatter [tilespmem:s14], [sflag:$0x7], $0x2000, $0x38;
	[tilespmem:$0xB900] =	vst v63  }
0x43: {  	_ =	swait.ge [sflag:s23], $0x2000  }
0x44: {  	[sflag:s23] =	ssyncset.done $0x0  }
0x45: {  	[sflag:s23] =	ssyncadd.s32 $0xFFFFE000  }
0x46: {  	[hbm4b:s8+s2] =	stream.linear.scatter [tilespmem:s16], [sflag:$0x8], $0x2000, $0x38;
	[tilespmem:$0xB900] =	vst v63  }
0x47: {  	_ =	swait.ge [sflag:s24], $0x2000  }
0x48: {  	[sflag:s24] =	ssyncset.done $0x0  }
0x49: {  	[sflag:s24] =	ssyncadd.s32 $0xFFFFE000  }
0x4a: {  	[hbm4b:s7+s2] =	stream.linear.scatter [tilespmem:s18], [sflag:$0x9], $0x2000, $0x38;
	[tilespmem:$0xB900] =	vst v63  }
0x4b: {  	_ =	swait.ge [sflag:s25], $0x2000  }
0x4c: {  	p0 =	seq.s32 s0, $0x5A00;
	[sflag:s25] =	ssyncset.done $0x0  }
.Ltmp4:
0x4d: {  	[sflag:s25] =	ssyncadd.s32 $0xFFFFE000;
	(pc) =	sbr.rel @p0 .LBB2_8-.Ltmp4, $4  }
0x4e: {  	[hbm4b:s6+s2] =	stream.linear.scatter [tilespmem:s20], [sflag:$0xA], $0x2000, $0x38;
	[tilespmem:$0xB900] =	vst v63  }
0x4f: {  	_ =	swait.ge [sflag:s26], $0x2000  }
0x50: {  	[sflag:s26] =	ssyncset.done $0x0  }
0x51: {  	[sflag:s26] =	ssyncadd.s32 $0xFFFFE000  }
0x52: {  	s4 =	sshra.s32 s0, $0x2  }
0x53: {  	s19 =	sadd.s32 $0x280, s4  }
0x54: {  	[tilespmem:s13], [sflag:$0x1] =	stream.indirect.gather [hbm4b:s3+s12], $0x40, s19, s12, $0xb8;
	[tilespmem:$0xB900] =	vst v63  }
0x55: {  	_ =	swait.ge [sflag:s28], $0x2000  }
0x56: {  	[sflag:s28] =	ssyncset.done $0x0  }
0x57: {  	s19 =	sadd.s32 $0x300, s4;
	[sflag:s28] =	ssyncadd.s32 $0xFFFFE000  }
0x58: {  	[tilespmem:s14], [sflag:$0x2] =	stream.indirect.gather [hbm4b:s3+s12], $0x40, s19, s12, $0xb8;
	[tilespmem:$0xB900] =	vst v63  }
0x59: {  	_ =	swait.ge [sflag:s29], $0x2000  }
0x5a: {  	[sflag:s29] =	ssyncset.done $0x0  }
0x5b: {  	s19 =	sadd.s32 $0x380, s4;
	[sflag:s29] =	ssyncadd.s32 $0xFFFFE000  }
0x5c: {  	[tilespmem:s16], [sflag:$0x3] =	stream.indirect.gather [hbm4b:s3+s12], $0x40, s19, s12, $0xb8;
	[tilespmem:$0xB900] =	vst v63  }
0x5d: {  	_ =	swait.ge [sflag:s30], $0x2000  }
0x5e: {  	[sflag:s30] =	ssyncset.done $0x0  }
0x5f: {  	s19 =	sadd.s32 $0x400, s4;
	[sflag:s30] =	ssyncadd.s32 $0xFFFFE000  }
0x60: {  	[tilespmem:s18], [sflag:$0x4] =	stream.indirect.gather [hbm4b:s3+s12], $0x40, s19, s12, $0xb8;
	[tilespmem:$0xB900] =	vst v63  }
.Ltmp5:
0x61: {  	s0 =	sadd.s32 $0xA00, s0;
	(pc) =	sbr.rel .LBB2_6-.Ltmp5, $4  }
0x62: {  	s6 =	sadd.s32 $0x1400, s6;
	s7 =	sadd.s32 $0x1400, s7;
	_ =	swait.ge [sflag:s31], $0x2000  }
0x63: {  	s8 =	sadd.s32 $0x1400, s8;
	s9 =	sadd.s32 $0x1400, s9;
	[sflag:s31] =	ssyncset.done $0x0  }
0x64: {  	s10 =	sadd.s32 $0x1400, s10;
	s4 =	sadd.s32 $0x480, s4;
	[sflag:s31] =	ssyncadd.s32 $0xFFFFE000  }
0x65: {  	[tilespmem:s20], [sflag:$0x5] =	stream.indirect.gather [hbm4b:s3+s12], $0x40, s4, s12, $0xb8;
	[tilespmem:$0xB900] =	vst v63  }
.LBB2_9:
0x66: {  	_ =	sfence.sel $0x180000  }
0x67: {  	[bflag:$0x0] =	sbarrier.arrive $0xFFFF  }
0x68: {  	_ =	strace $0x9000004A  }
0x69: {  	s0 =	stileid.u32;
	[bflag:$0x2] =	sbarrier.arrive $0xFFFF  }
0x6a: {  	p0 =	sne.s32 s0, $0x0;
	s0 =	rddreg [dreg:$0x2]  }
0x6b: {  	s0 =	sadd.s32 @!p0 $0x100000, s0  }
0x6c: {  	[sflag:s0] =	ssyncadd.tile.s32 @!p0 $0x1;
	_ =	shalt  }
.Lfunc_end2:
_tile_overlayer_lowered:
.L_overlay_start_2:
0x6d: {  	(tag) =	ssettag $0x2  }
0x6e: {  	s0 =	rddreg [dreg:$0x0];
	s2 =	stileid.u32  }
0x6f: {  	s1 =	rddreg [dreg:$0x1];
	p0 =	sne.s32 s2, $0x0  }
0x70: {  	s3 =	rddreg [dreg:$0x2];
	[bflag:$0x3] =	sbarrier.arrive $0xFFFF;
	s2 =	simm.s32 @!p0 $0x1C0C  }
0x71: {  	[timem:s3], [sflag:s2] =	dma.local @!p0 [hbm:s0], s1  }
0x72: {  	s0 =	simm.s32 @!p0 $0xC  }
0x73: {  	_ =	swait.ge @!p0 [sflag:s0], s1  }
0x74: {  	s1 =	ssub.s32 @!p0 $0x0, s1;
	[sflag:s0] =	ssyncset.done @!p0 $0x0  }
0x75: {  	[sflag:s0] =	ssyncadd.s32 @!p0 s1  }
0x76: {  	[bflag:$0x3] =	sbarrier.arrive $0xFFFF  }
0x77: {  	_ =	shalt  }

// kernel: sparse-core-data-format-call.cloned.1.call-start
scs
called_computation_lowered:
.L_overlay_start_0:
0x0: {  	s2 =	sld [smem:$0x3FD9]  }
0x1: {  	s3 =	sld [smem:$0x3FFE];
	_ =	sdelay $0x1  }
0x2: {  	s1 =	srdreg.scid  }
0x3: {  	s0 =	sand.u32 $0x1, s1  }
0x4: {  	s18 =	sshll.u32 s0, $0xA;
	s2 =	sadd.s32 s3, s2  }
0x5: {  	s2 =	sadd.s32 s2, s18  }
0x6: {  	[smem:$0x3FC6] =	sst s2  }
0x7: {  	_ = 	snop  }
0x8: {  	s2 =	sld [smem:$0x3FD0];
	(tm) =	ssettm $0x1  }
0x9: {  	s19 =	sld [smem:$0x3FFB];
	_ =	sdelay $0x3  }
0xa: {  	_ =	strace s19  }
0xb: {  	s3 =	sld [smem:$0x3FFC];
	_ =	sdelay $0x3  }
0xc: {  	_ =	strace s3  }
0xd: {  	s3 =	sld [smem:$0x3FFD];
	_ =	sdelay $0x3  }
0xe: {  	_ =	strace s3  }
0xf: {  	_ =	strace $0x8FFFFFFF  }
0x10: {  	s20 =	sld [smem:$0x3FDB];
	_ =	sdelay $0x1  }
0x11: {  	s4 =	simm.s32 $_scs_section_size  }
0x12: {  	s5 =	simm.s32 $_size__tile_overlayer_lowered;
	s6 =	simm.s32 $_tile_overlayer_lowered  }
0x13: {  	s23 =	simm.s32 $0x1BFF;
	s22 =	sshll.u32 s6, $0x1;
	s3 =	sadd.s32 s4, s20  }
0x14: {  	s7 =	simm.s32 $0x0;
	s21 =	sshll.u32 s5, $0x1;
	s5 =	sadd.s32 s22, s3  }
0x15: {  	[timem:s7], [sflag:s23] =	dma.local [hbm:s5], s21  }
0x16: {  	_ =	swait.ge [sflag:s23], s21  }
0x17: {  	s4 =	ssub.s32 $0x0, s21;
	[sflag:s23] =	ssyncset.done $0x0  }
0x18: {  	[sflag:s23] =	ssyncadd.s32 s4;
	_ =	sdelay $0x1  }
0x19: {  	s24 =	simm.s32 $0x1B8B  }
0x1a: {  	_ =	swait.ge [sflag:s24], $0x1  }
0x1b: {  	[sflag:s24] =	ssyncset.done $0x0  }
0x1c: {  	s26 =	simm.s32 $0x1B8E;
	s25 =	sld [smem:$0x3FFE];
	[sflag:s24] =	ssyncadd.s32 $0xFFFFFFFF  }
0x1d: {  	s27 =	simm.s32 $execute0_lowered;
	[smem:$0x3FD2] =	sst s26  }
0x1e: {  	s5 =	sshll.u32 s27, $0x1;
	_ =	strace $0x8000004C;
	[dreg:$0x1] =	wrdreg $0xFFFFFFFF  }
0x1f: {  	s28 =	simm.s32 $_size_execute0_lowered;
	s3 =	sadd.s32 s3, s5;
	[dreg:$0x0] =	wrdreg $0x0  }
0x20: {  	s5 =	sshll.u32 s28, $0x1;
	[dreg:$0x2] =	wrdreg s3  }
0x21: {  	[dreg:$0x3] =	wrdreg s5  }
0x22: {  	[dreg:$0x4] =	wrdreg $0xC0  }
0x23: {  	_ =	task [dreg:s7], $0x5FFFF  }
0x24: {  	[dreg:$0x1] =	wrdreg $0xFFFFFFFF  }
0x25: {  	[dreg:$0x0] =	wrdreg $0x60  }
0x26: {  	[dreg:$0x2] =	wrdreg s25  }
0x27: {  	[dreg:$0x3] =	wrdreg s2  }
0x28: {  	[dreg:$0x4] =	wrdreg $0x9  }
0x29: {  	_ =	task.clear_ibuf [dreg:s7], $0x5FFFF;
	_ =	strace $0x9000004C  }
0x2a: {  	s29 =	simm.s32 $0x9;
	_ =	strace $0x8000004E  }
0x2b: {  	_ =	swait.ge [sflag:s29], $0x1  }
0x2c: {  	[sflag:s29] =	ssyncadd.s32 $0xFFFFFFFF  }
0x2d: {  	_ =	strace $0x9000004E  }
0x2e: {  	_ =	sfence  }
0x2f: {  	s30 =	sld [smem:$0x0];
	_ =	sdelay $0x2  }
0x30: {  	s31 =	sshll.u32 s1, $0xD;
	s1 =	sshrl.u32 s1, $0x2  }
0x31: {  	s3 =	sand.u32 $0x4000, s31;
	s1 =	sadd.s32 s1, s30  }
0x32: {  	s0 =	sor.u32 s3, s0;
	s1 =	sshll.u32 s1, $0x11  }
0x33: {  	s0 =	sor.u32 s1, s0  }
0x34: {  	s0 =	sadd.s32 $0x8F2B, s0  }
0x35: {  	[sflag:s0] =	ssyncadd.remote.s32 $0x1  }
0x36: {  	_ =	sfence.sel $0xFFFF  }
0x37: {  	[dreg:$0x0] =	wrdreg $0xFFFFFFFF;
	(pc) =	sbr.abs _section_cstart, $3  }
0x38: {  	[dreg:$0x1] =	wrdreg $0xFFFFFFFF  }
0x39: {  	_ =	task.clear_ibuf [dreg:s7], $0x2FFFF;
	_ =	strace $0x9FFFFFFF  }
0x3a: {  	(tm) =	ssettm $0x7FFFFFFF  }
0x3b: {  	_ =	shalt  }
tec
execute0_lowered:
.L_overlay_start_1:
0x0: {  	(tag) =	ssettag $0x1  }
0x1: {  	s7 =	rddreg [dreg:$0x0]  }
0x2: {  	s2 =	rddreg [dreg:$0x1]  }
0x3: {  	s0 =	stileid.u32;
	s1 =	srdreg.scid;
	s31 =	simm.s32 $0x2  }
0x4: {  	s14 =	simm.s32 $0x0;
	s15 =	simm.s32 $0x0;
	s13 =	simm.s32 $0x0  }
0x5: {  	s3 =	sshll.u32 s0, $0x5;
	s4 =	sshll.u32 s1, $0x9;
	s5 =	sshll.u32 s0, $0x1  }
0x6: {  	s1 =	rddreg [dreg:$0x2];
	s4 =	sor.u32 s3, s4;
	s3 =	sand.u32 $0x6, s5  }
0x7: {  	_ =	strace $0x8000004D;
	s4 =	sand.u32 $0x380, s4;
	s5 =	ssub.s32 $0xC8, s3  }
0x8: {  	s12 =	smov.u32 s3;
	s8 =	sshll.u32 s4, $0x4;
	s6 =	sand.u32 $0x6, s5  }
0x9: {  	s9 =	ssub.s32 $0x400, s4;
	s11 =	sshrl.u32 s5, $0x3;
	s5 =	simm.s32 $0x1  }
0xa: {  	p0 =	sne.s32 s6, $0x0;
	s6 =	simm.s32 $0x1;
	s10 =	sand.u32 $0x380, s9  }
0xb: {  	s6 =	simm.s32 @!p0 $0x0;
	p0 =	sne.s32 s10, $0x0;
	s10 =	simm.s32 $0x1  }
.Ltmp0:
0xc: {  	s9 =	sshrl.u32 s9, $0xA;
	s10 =	simm.s32 @!p0 $0x0;
	(pc) =	sbr.rel .LBB1_1-.Ltmp0, $4  }
0xd: {  	[sflag:s5] =	ssyncpa.u1 $0x0;
	s6 =	sadd.s32 s6, s11;
	s9 =	sadd.s32 s10, s9  }
0xe: {  	s8 =	sadd.s32 s8, s7;
	[sflag:s31] =	ssyncpa.u1 $0x0;
	s6 =	smul.u32 s6, s9  }
0xf: {  	s7 =	sadd.s32 $0xE00, s8;
	s8 =	sadd.s32 $0x4E00, s8;
	p0 =	por $0x0, $0x0  }
0x10: {  	s11 =	simm.s32 $0x2000;
	s10 =	simm.s32 $0x400;
	s9 =	sadd.s32 $0x1, s6  }
.LBB1_7:
0x11: {  	s16 =	sadd.s32 $0x8, s12  }
0x12: {  	p2 =	sgt.s32 s16, $0xC7  }
0x13: {  	s16 =	smov.u32 @p2 s3;
	p2 =	sne.s32 s13, s9  }
.Ltmp1:
0x14: {  	p1 =	slt.u32 s13, $0x2;
	(pc) =	sbr.rel @!p2 .LBB1_8-.Ltmp1, $4  }
0x15: {  	s14 =	simm.s32 @!p1 $0x2  }
0x16: {  	s17 =	sadd.s32 $0x1, s13;
	s15 =	smov.u32 s12;
	_ =	swait.ge @!p1 [sflag:s14], $0x4000  }
0x17: {  	p0 =	por !p0, !p0;
	s13 =	smov.u32 s17;
	[sflag:s14] =	ssyncset.done @!p1 $0x0  }
0x18: {  	s12 =	smov.u32 s16;
	[sflag:s14] =	ssyncadd.s32 @!p1 $0xFFFFC000;
	s14 =	smov.u32 s4  }
.LBB1_1:
0x19: {  	p1 =	sge.u32 s13, s6  }
0x1a: {  	s16 =	sxor.u32 @!p1 $0xFFFFFFFF, s13  }
0x1b: {  	s17 =	sshll.u32 @!p1 s12, $0xE;
	s19 =	simm.s32 @!p1 $0x40;
	s16 =	sshll.u32 @!p1 s16, $0xE  }
0x1c: {  	s20 =	simm.s32 @!p1 $0x80;
	s18 =	sadd.s32 @!p1 s17, s7;
	s16 =	sand.u32 @!p1 $0x4000, s16  }
0x1d: {  	[tilespmem:s16], [sflag:$0x1] =	stream.strided.gather @!p1 [hbm4b:s18+s19], $0x2000, s20, s19, $0x38;
	[tilespmem:$0x10100] =	vst v63  }
0x1e: {  	s31 =	sadd.s32 $0xFFFFFFFF, s13;
	s17 =	sadd.s32 @!p1 s17, s8;
	s16 =	sor.u32 @!p1 $0x2000, s16  }
0x1f: {  	[tilespmem:s16], [sflag:$0x1] =	stream.strided.gather @!p1 [hbm4b:s17+s19], $0x2000, s20, s19, $0x38;
	[tilespmem:$0x10100] =	vst v63  }
0x20: {  	p1 =	sge.u32 s31, s6  }
.Ltmp2:
0x21: {  	_ = 	snop;
	(pc) =	sbr.rel @p1 .LBB1_7-.Ltmp2, $1  }
0x22: {  	_ =	sdelay $0x3  }
0x23: {  	s16 =	simm.s32 $0x1;
	s18 =	sand.u32 $0x1, s13  }
0x24: {  	_ =	swait.ge [sflag:s5], $0x4000;
	s16 =	simm.s32 @!p0 $0x0;
	s18 =	smul.u32 $0x10200, s18  }
0x25: {  	p2 =	por $0x1, $0x1;
	[sflag:s5] =	ssyncset.done $0x0;
	s17 =	smul.u32 $0x10200, s16  }
0x26: {  	s19 =	sshll.u32 s16, $0x10;
	[sflag:s5] =	ssyncadd.s32 $0xFFFFC000;
	s30 =	sshrl.u32 s18, $0x2  }
0x27: {  	s31 =	sshrl.u32 s19, $0x2;
	s19 =	simm.s32 $0x0;
	s17 =	sshrl.u32 s17, $0x2  }
0x28: {  	s16 =	sor.u32 $0x8000, s30;
	s18 =	sadd.s32 $0x20, s31;
	s17 =	sor.u32 $0x8000, s17  }
.LBB1_3:
0x29: {  	s20 =	sshll.u32 s19, $0xD  }
0x2a: {  	s20 =	sand.u32 $0x3FFFE000, s20  }
0x2b: {  	s22 =	sadd.s32 s20, s18  }
0x2c: {  	s31 =	smul.u32 $0x8100, s19;
	v3 =	vld [tilespmem:s22+$0x10]  }
0x2d: {  	v1 =	vld [tilespmem:s22+$0xFFFFFFF0]  }
0x2e: {  	s19 =	sshra.s32 s31, $0x2;
	v0 =	vld [tilespmem:s22+$0x0]  }
0x2f: {  	s19 =	sadd.s32 s19, s17;
	v2 =	vld [tilespmem:s22+$0xFFFFFFE0]  }
0x30: {  	s20 =	sadd.s32 $0x0, s19  }
0x31: {  	p1 =	por p2, p2;
	s21 =	simm.s32 $0x4;
	s22 =	sadd.s32 $0x40, s22;
	[tilespmem:s20+$0x1830 ss:$0x81] =	vst.msk $0xffff, v3  }
.LBB1_4:
0x32: {  	v3 =	vld [tilespmem:s22+$0x10];
	p2 =	sne.s32 s21, $0x1FC;
	[tilespmem:s20+$0x810 ss:$0x81] =	vst.msk $0xffff, v1;
	s23 =	smov.u32 s21;
	s21 =	sadd.s32 $0x4, s21  }
.Ltmp3:
0x33: {  	v1 =	vld [tilespmem:s22+$0xFFFFFFF0];
	[tilespmem:s20+$0x1020 ss:$0x81] =	vst.msk $0xffff, v0;
	(pc) =	sbr.rel @p2 .LBB1_4-.Ltmp3, $4  }
0x34: {  	v0 =	vld [tilespmem:s22+$0x0];
	[tilespmem:s20+$0x0 ss:$0x81] =	vst.msk $0xffff, v2  }
0x35: {  	s20 =	sshra.s32 s23, $0x2;
	v2 =	vld [tilespmem:s22+$0xFFFFFFE0]  }
0x36: {  	s20 =	sadd.s32 s20, s19  }
0x37: {  	s22 =	sadd.s32 $0x40, s22;
	[tilespmem:s20+$0x1830 ss:$0x81] =	vst.msk $0xffff, v3  }
.Ltmp4:
0x38: {  	(pc) =	sbr.rel @p1 .LBB1_3-.Ltmp4, $4  }
0x39: {  	_ = 	snop  }
0x3a: {  	[tilespmem:s20+$0x810 ss:$0x81] =	vst.msk $0xffff, v1  }
0x3b: {  	[tilespmem:s20+$0x1020 ss:$0x81] =	vst.msk $0xffff, v0  }
0x3c: {  	s19 =	simm.s32 $0x1;
	p2 =	por $0x0, $0x0;
	[tilespmem:s20+$0x0 ss:$0x81] =	vst.msk $0xffff, v2  }
.Ltmp5:
0x3d: {  	(pc) =	sbr.rel .LBB1_7-.Ltmp5, $4  }
0x3e: {  	_ = 	snop  }
0x3f: {  	s15 =	sshll.u32 s15, $0xD;
	s14 =	sadd.s32 s2, s14  }
0x40: {  	s14 =	sadd.s32 s15, s14  }
0x41: {  	[hbm4b:s14+s10] =	stream.strided.scatter [tilespmem:s16], [sflag:$0x2], $0x4000, s11, s10, $0x20;
	[tilespmem:$0x10100] =	vst v63  }
.LBB1_8:
0x42: {  	_ =	sfence.sel $0x180000  }
0x43: {  	s2 =	simm.s32 $0x1;
	[bflag:$0x0] =	sbarrier.arrive $0xFFFF  }
0x44: {  	s31 =	simm.s32 $0x2;
	[sflag:s2] =	ssyncpa.u1 $0x1  }
0x45: {  	[sflag:s31] =	ssyncpa.u1 $0x1  }
0x46: {  	p0 =	sne.s32 s0, $0x0;
	_ =	strace $0x9000004D  }
0x47: {  	s0 =	sadd.s32 @!p0 $0x100000, s1;
	[bflag:$0x2] =	sbarrier.arrive $0xFFFF  }
0x48: {  	[sflag:s0] =	ssyncadd.tile.s32 @!p0 $0x1;
	_ =	shalt  }
.Lfunc_end1:
_tile_overlayer_lowered:
.L_overlay_start_2:
0x49: {  	(tag) =	ssettag $0x2  }
0x4a: {  	s0 =	rddreg [dreg:$0x0];
	s2 =	stileid.u32  }
0x4b: {  	s1 =	rddreg [dreg:$0x1];
	p0 =	sne.s32 s2, $0x0  }
0x4c: {  	s3 =	rddreg [dreg:$0x2];
	[bflag:$0x3] =	sbarrier.arrive $0xFFFF;
	s2 =	simm.s32 @!p0 $0x1C01  }
0x4d: {  	[timem:s3], [sflag:s2] =	dma.local @!p0 [hbm:s0], s1  }
0x4e: {  	s0 =	simm.s32 @!p0 $0x1  }
0x4f: {  	_ =	swait.ge @!p0 [sflag:s0], s1  }
0x50: {  	s1 =	ssub.s32 @!p0 $0x0, s1;
	[sflag:s0] =	ssyncset.done @!p0 $0x0  }
0x51: {  	[sflag:s0] =	ssyncadd.s32 @!p0 s1  }
0x52: {  	[bflag:$0x3] =	sbarrier.arrive $0xFFFF  }
0x53: {  	_ =	shalt  }

</sc_bundles>
